<compile_context>
chip_gen: v7x
topology: tpu7x:2x2x1
jax: 0.10.2.dev20260603
libtpu: 0.0.44.dev20260713+nightly
codegen_flags: <defaults>
</compile_context>

<pallas_src>
import functools
import jax
import jax.numpy as jnp
from jax import lax
from jax.experimental import pallas as pl
from jax.experimental.pallas import tpu as pltpu
from jax.experimental.pallas import tpu_sc as plsc

NC = 2
NS = 16
L = 16
NBUF = 2
SC_FRAC_NUM, SC_FRAC_DEN = 1, 4
BR = 1024


def _tc_body(idx_ref, x_ref, out_ref):
    n = x_ref.shape[1]
    idx = idx_ref[0, :]
    onehot = (jax.lax.broadcasted_iota(jnp.int32, (n, idx.shape[0]), 0)
              == idx[None, :]).astype(jnp.float32)
    out_ref[...] = jnp.dot(x_ref[...], onehot,
                           preferred_element_type=jnp.float32)


def _sc_call(x, indices, RT, R, K, N):
    NW = NC * NS
    RS = R - RT
    rows_per_w = RS // NW
    CH = 16
    steps = rows_per_w // CH

    mesh = plsc.VectorSubcoreMesh(core_axis_name="c", subcore_axis_name="s")

    @functools.partial(
        pl.kernel, mesh=mesh,
        out_type=jax.ShapeDtypeStruct((RS, K), jnp.float32),
        compiler_params=pltpu.CompilerParams(needs_layout_passes=False),
        scratch_types=[
            pltpu.VMEM((K,), jnp.int32),
            pltpu.VMEM((CH, N), jnp.float32),
            pltpu.VMEM((CH, N), jnp.float32),
            pltpu.VMEM((CH, K), jnp.float32),
            pltpu.VMEM((CH, K), jnp.float32),
            pltpu.SemaphoreType.DMA,
            pltpu.SemaphoreType.DMA,
            pltpu.SemaphoreType.DMA,
            pltpu.SemaphoreType.DMA,
        ],
    )
    def sc_k(x_hbm, idx_hbm, out_hbm, idx_v, in0, in1, o0, o1,
             si0, si1, so0, so1):
        ins = [in0, in1]
        outs = [o0, o1]
        isems = [si0, si1]
        osems = [so0, so1]
        wid = lax.axis_index("s") * NC + lax.axis_index("c")
        base = wid * rows_per_w
        pltpu.sync_copy(idx_hbm, idx_v)

        def in_copy(c, b):
            src = x_hbm.at[pl.ds(RT + base + c * CH, CH)]
            return pltpu.make_async_copy(src, ins[b], isems[b])

        def out_copy(c, b):
            dst = out_hbm.at[pl.ds(base + c * CH, CH)]
            return pltpu.make_async_copy(outs[b], dst, osems[b])

        for b in range(NBUF):
            in_copy(b, b).start()

        @pl.loop(0, steps, step=NBUF)
        def group(s):
            for b in range(NBUF):
                c = s + b
                in_copy(c, b).wait()

                @pl.when(s > 0)
                def _drain():
                    out_copy(c - NBUF, b).wait()

                def row(r, carry):
                    for g in range(K // L):
                        col = idx_v[pl.ds(g * L, L)]
                        rowv = jnp.full((L,), r, jnp.int32)
                        outs[b][r, pl.ds(g * L, L)] = plsc.load_gather(
                            ins[b], [rowv, col])
                    return carry

                lax.fori_loop(0, CH, row, 0, unroll=2)
                out_copy(c, b).start()

                @pl.when(c + NBUF < steps)
                def _next():
                    in_copy(c + NBUF, b).start()

        for b in range(NBUF):
            out_copy(steps - NBUF + b, b).wait()

    return sc_k(x, indices)


def kernel(input, indices):
    B, S, N = input.shape
    K = indices.shape[0]
    R = B * S
    x = input.reshape(R, N)

    RS = (R * SC_FRAC_NUM // SC_FRAC_DEN) // 512 * 512
    RT = R - RS

    out_sc = _sc_call(x, indices, RT, R, K, N)

    idx2 = indices.reshape(1, K)
    out_full = pl.pallas_call(
        _tc_body,
        grid=(RT // BR,),
        in_specs=[
            pl.BlockSpec((1, K), lambda i: (0, 0)),
            pl.BlockSpec((BR, N), lambda i: (i, 0)),
        ],
        out_specs=pl.BlockSpec((BR, K), lambda i: (i, 0)),
        out_shape=jax.ShapeDtypeStruct((R, K), jnp.float32),
    )(idx2, x)

    out = jax.lax.dynamic_update_slice(out_full, out_sc, (RT, 0))
    return out.reshape(B, S, K)

# --- scband reference (transcript-rebuilt; emitter-appended) ---
"""Pipeline reference for scband-slicing-layer-59639915872346 (READ-ONLY COPY).

The authoritative reference and input builder live on the scoring server;
editing this copy changes nothing except your own understanding.
"""

import jax, jax.numpy as jnp
import numpy as np

INDICES = jnp.asarray(np.arange(0, 2048, 16), dtype=jnp.int32)

def setup_inputs(seed: int = 0) -> dict:
    key = jax.random.key(seed)
    x = jax.random.normal(key, (4, 4096, 2048), dtype=jnp.float32)
    return {"input": x, "indices": INDICES}

def reference(input, indices):
    # torch.index_select(input, dim=-1, index=indices)
    return jnp.take(input, indices, axis=-1)

if __name__ == "__main__":
    import jax
    _d = setup_inputs()
    print(jax.jit(kernel)(*tuple(_d.values())))

</pallas_src>

<mosaic_0001>
#map = affine_map<(d0, d1) -> (0, 0)>
#map1 = affine_map<(d0, d1) -> (0)>
module attributes {stable_mosaic.version = 14 : i64} {
  func.func @sc_k(%arg0: i32, %arg1: i32, %arg2: memref<16384x2048xf32, #tpu.memory_space<hbm>>, %arg3: memref<128xi32, #tpu.memory_space<hbm>>, %arg4: memref<4096x128xf32, #tpu.memory_space<hbm>>, %arg5: memref<128xi32, #tpu.memory_space<vmem>>, %arg6: memref<16x2048xf32, #tpu.memory_space<vmem>>, %arg7: memref<16x2048xf32, #tpu.memory_space<vmem>>, %arg8: memref<16x128xf32, #tpu.memory_space<vmem>>, %arg9: memref<16x128xf32, #tpu.memory_space<vmem>>, %arg10: memref<!tpu.dma_semaphore, #tpu.memory_space<semaphore_mem>>, %arg11: memref<!tpu.dma_semaphore, #tpu.memory_space<semaphore_mem>>, %arg12: memref<!tpu.dma_semaphore, #tpu.memory_space<semaphore_mem>>, %arg13: memref<!tpu.dma_semaphore, #tpu.memory_space<semaphore_mem>>) attributes {dimension_semantics = [#tpu.dimension_semantics<core_parallel>, #tpu.dimension_semantics<subcore_parallel>], iteration_bounds = array<i64: 2, 16>, scalar_prefetch = 0 : i64, scratch_operands = 9 : i64, tpu.core_type = #tpu.core_type<sc_vector_subcore>, window_params = [{transform_indices = #map}, {transform_indices = #map1}, {transform_indices = #map}]} {
    %mul3A = arith.constant 2 : i32
    %mul3A_0 = arith.muli %arg1, %mul3A : i32
    %add3A = arith.addi %mul3A_0, %arg0 : i32
    %mul3A_1 = arith.constant 128 : i32
    %mul3A_2 = arith.muli %add3A, %mul3A_1 : i32
    "tpu.region"() ({
      %run_scoped3A = tpu.sem_alloc : memref<!tpu.dma_semaphore, #tpu.memory_space<semaphore_mem>>
      tpu.enqueue_dma source(%arg3 : memref<128xi32, #tpu.memory_space<hbm>>) target(%arg5 : memref<128xi32, #tpu.memory_space<vmem>>) target_semaphore(%run_scoped3A : memref<!tpu.dma_semaphore, #tpu.memory_space<semaphore_mem>>)
      tpu.wait_dma2 semaphore(%run_scoped3A : memref<!tpu.dma_semaphore, #tpu.memory_space<semaphore_mem>>) src(%arg3 : memref<128xi32, #tpu.memory_space<hbm>>) dst(%arg5 : memref<128xi32, #tpu.memory_space<vmem>>)
      tpu.yield
    }) : () -> ()
    %add3A_3 = arith.constant 12288 : i32
    %add3A_4 = arith.addi %add3A_3, %mul3A_2 : i32
    %add3A_5 = arith.constant 0 : i32
    %add3A_6 = arith.addi %add3A_4, %add3A_5 : i32
    %dma_start3A = arith.constant 0 : i32
    %dma_start3A_7 = tpu.memref_slice %arg2[%add3A_6, %dma_start3A] : memref<16384x2048xf32, #tpu.memory_space<hbm>> -> memref<16x2048xf32, #tpu.memory_space<hbm>>
    %dma_start3A_8 = arith.constant 0 : i32
    %dma_start3A_9 = tpu.memref_slice %arg2[%add3A_6, %dma_start3A_8] : memref<16384x2048xf32, #tpu.memory_space<hbm>> -> memref<16x2048xf32, #tpu.memory_space<hbm>>
    tpu.enqueue_dma source(%dma_start3A_9 : memref<16x2048xf32, #tpu.memory_space<hbm>>) target(%arg6 : memref<16x2048xf32, #tpu.memory_space<vmem>>) target_semaphore(%arg10 : memref<!tpu.dma_semaphore, #tpu.memory_space<semaphore_mem>>)
    %add3A_10 = arith.constant 12288 : i32
    %add3A_11 = arith.addi %add3A_10, %mul3A_2 : i32
    %add3A_12 = arith.constant 16 : i32
    %add3A_13 = arith.addi %add3A_11, %add3A_12 : i32
    %dma_start3A_14 = arith.constant 0 : i32
    %dma_start3A_15 = tpu.memref_slice %arg2[%add3A_13, %dma_start3A_14] : memref<16384x2048xf32, #tpu.memory_space<hbm>> -> memref<16x2048xf32, #tpu.memory_space<hbm>>
    %dma_start3A_16 = arith.constant 0 : i32
    %dma_start3A_17 = tpu.memref_slice %arg2[%add3A_13, %dma_start3A_16] : memref<16384x2048xf32, #tpu.memory_space<hbm>> -> memref<16x2048xf32, #tpu.memory_space<hbm>>
    tpu.enqueue_dma source(%dma_start3A_17 : memref<16x2048xf32, #tpu.memory_space<hbm>>) target(%arg7 : memref<16x2048xf32, #tpu.memory_space<vmem>>) target_semaphore(%arg11 : memref<!tpu.dma_semaphore, #tpu.memory_space<semaphore_mem>>)
    %scan3A = arith.constant 0 : i32
    %scan3A_18 = arith.constant 4 : i32
    %scan3A_19 = arith.addi %scan3A, %scan3A_18 : i32
    %scan3A_20 = arith.constant 1 : i32
    scf.for %scan3A_33 = %scan3A to %scan3A_19 step %scan3A_20  : i32 {
      %mul3A_34 = arith.constant 2 : i32
      %mul3A_35 = arith.muli %scan3A_33, %mul3A_34 : i32
      %add3A_36 = arith.constant 0 : i32
      %add3A_37 = arith.addi %add3A_36, %mul3A_35 : i32
      %add3A_38 = arith.constant 0 : i32
      %add3A_39 = arith.addi %add3A_37, %add3A_38 : i32
      %add3A_40 = arith.constant 12288 : i32
      %add3A_41 = arith.addi %add3A_40, %mul3A_2 : i32
      %mul3A_42 = arith.constant 16 : i32
      %mul3A_43 = arith.muli %add3A_39, %mul3A_42 : i32
      %add3A_44 = arith.addi %add3A_41, %mul3A_43 : i32
      %dma_wait3A_45 = arith.constant 0 : i32
      %dma_wait3A_46 = tpu.memref_slice %arg2[%add3A_44, %dma_wait3A_45] : memref<16384x2048xf32, #tpu.memory_space<hbm>> -> memref<16x2048xf32, #tpu.memory_space<hbm>>
      %dma_wait3A_47 = arith.constant 0 : i32
      %dma_wait3A_48 = tpu.memref_slice %arg2[%add3A_44, %dma_wait3A_47] : memref<16384x2048xf32, #tpu.memory_space<hbm>> -> memref<16x2048xf32, #tpu.memory_space<hbm>>
      tpu.wait_dma2 semaphore(%arg10 : memref<!tpu.dma_semaphore, #tpu.memory_space<semaphore_mem>>) src(%dma_wait3A_48 : memref<16x2048xf32, #tpu.memory_space<hbm>>) dst(%arg6 : memref<16x2048xf32, #tpu.memory_space<vmem>>)
      %gt3A = arith.constant 0 : i32
      %gt3A_49 = arith.cmpi sgt, %add3A_37, %gt3A : i32
      %convert_element_type3A = arith.extui %gt3A_49 : i1 to i32
      %cond3A = arith.constant 0 : i32
      %cond3A_50 = arith.cmpi ne, %convert_element_type3A, %cond3A : i32
      scf.if %cond3A_50 {
        %sub3A = arith.constant 2 : i32
        %sub3A_106 = arith.subi %add3A_39, %sub3A : i32
        %mul3A_107 = arith.constant 16 : i32
        %mul3A_108 = arith.muli %sub3A_106, %mul3A_107 : i32
        %add3A_109 = arith.addi %mul3A_2, %mul3A_108 : i32
        %dma_wait3A_110 = arith.constant 0 : i32
        %dma_wait3A_111 = tpu.memref_slice %arg4[%add3A_109, %dma_wait3A_110] : memref<4096x128xf32, #tpu.memory_space<hbm>> -> memref<16x128xf32, #tpu.memory_space<hbm>>
        %dma_wait3A_112 = arith.constant 0 : i32
        %dma_wait3A_113 = tpu.memref_slice %arg4[%add3A_109, %dma_wait3A_112] : memref<4096x128xf32, #tpu.memory_space<hbm>> -> memref<16x128xf32, #tpu.memory_space<hbm>>
        tpu.wait_dma2 semaphore(%arg12 : memref<!tpu.dma_semaphore, #tpu.memory_space<semaphore_mem>>) src(%arg8 : memref<16x128xf32, #tpu.memory_space<vmem>>) dst(%dma_wait3A_113 : memref<16x128xf32, #tpu.memory_space<hbm>>)
      } else {
      }
      %scan3A_51 = arith.constant 0 : i32
      %scan3A_52 = arith.constant 0 : i32
      %scan3A_53 = arith.constant 16 : i32
      %scan3A_54 = arith.addi %scan3A_52, %scan3A_53 : i32
      %scan3A_55 = arith.constant 2 : i32
      scf.for %scan3A_106 = %scan3A_52 to %scan3A_54 step %scan3A_55  : i32 {
        %get3A = arith.constant 0 : index
        %get3A_107 = tpu.vector_load %arg5[%get3A] {strides = array<i32>} : memref<128xi32, #tpu.memory_space<vmem>>, vector<16xi32>,
        %broadcast_in_dim3A = vector.broadcast %scan3A_106 : i32 to vector<16xi32>
        %gather3A = tpu.vector_load_idx %arg6[%broadcast_in_dim3A, %get3A_107] : memref<16x2048xf32, #tpu.memory_space<vmem>>[vector<16xi32>, vector<16xi32>], vector<16xf32>,
        %swap3A = arith.index_cast %scan3A_106 : i32 to index
        %swap3A_108 = arith.constant 0 : index
        %swap3A_109 = tpu.vector_load %arg8[%swap3A, %swap3A_108] {strides = array<i32>} : memref<16x128xf32, #tpu.memory_space<vmem>>, vector<16xf32>,
        tpu.vector_store %arg8[%swap3A, %swap3A_108], %gather3A {strides = array<i32>} : memref<16x128xf32, #tpu.memory_space<vmem>>, vector<16xf32>,
        %get3A_110 = arith.constant 16 : index
        %get3A_111 = tpu.vector_load %arg5[%get3A_110] {strides = array<i32>} : memref<128xi32, #tpu.memory_space<vmem>>, vector<16xi32>,
        %broadcast_in_dim3A_112 = vector.broadcast %scan3A_106 : i32 to vector<16xi32>
        %gather3A_113 = tpu.vector_load_idx %arg6[%broadcast_in_dim3A_112, %get3A_111] : memref<16x2048xf32, #tpu.memory_space<vmem>>[vector<16xi32>, vector<16xi32>], vector<16xf32>,
        %swap3A_114 = arith.index_cast %scan3A_106 : i32 to index
        %swap3A_115 = arith.constant 16 : index
        %swap3A_116 = tpu.vector_load %arg8[%swap3A_114, %swap3A_115] {strides = array<i32>} : memref<16x128xf32, #tpu.memory_space<vmem>>, vector<16xf32>,
        tpu.vector_store %arg8[%swap3A_114, %swap3A_115], %gather3A_113 {strides = array<i32>} : memref<16x128xf32, #tpu.memory_space<vmem>>, vector<16xf32>,
        %get3A_117 = arith.constant 32 : index
        %get3A_118 = tpu.vector_load %arg5[%get3A_117] {strides = array<i32>} : memref<128xi32, #tpu.memory_space<vmem>>, vector<16xi32>,
        %broadcast_in_dim3A_119 = vector.broadcast %scan3A_106 : i32 to vector<16xi32>
        %gather3A_120 = tpu.vector_load_idx %arg6[%broadcast_in_dim3A_119, %get3A_118] : memref<16x2048xf32, #tpu.memory_space<vmem>>[vector<16xi32>, vector<16xi32>], vector<16xf32>,
        %swap3A_121 = arith.index_cast %scan3A_106 : i32 to index
        %swap3A_122 = arith.constant 32 : index
        %swap3A_123 = tpu.vector_load %arg8[%swap3A_121, %swap3A_122] {strides = array<i32>} : memref<16x128xf32, #tpu.memory_space<vmem>>, vector<16xf32>,
        tpu.vector_store %arg8[%swap3A_121, %swap3A_122], %gather3A_120 {strides = array<i32>} : memref<16x128xf32, #tpu.memory_space<vmem>>, vector<16xf32>,
        %get3A_124 = arith.constant 48 : index
        %get3A_125 = tpu.vector_load %arg5[%get3A_124] {strides = array<i32>} : memref<128xi32, #tpu.memory_space<vmem>>, vector<16xi32>,
        %broadcast_in_dim3A_126 = vector.broadcast %scan3A_106 : i32 to vector<16xi32>
        %gather3A_127 = tpu.vector_load_idx %arg6[%broadcast_in_dim3A_126, %get3A_125] : memref<16x2048xf32, #tpu.memory_space<vmem>>[vector<16xi32>, vector<16xi32>], vector<16xf32>,
        %swap3A_128 = arith.index_cast %scan3A_106 : i32 to index
        %swap3A_129 = arith.constant 48 : index
        %swap3A_130 = tpu.vector_load %arg8[%swap3A_128, %swap3A_129] {strides = array<i32>} : memref<16x128xf32, #tpu.memory_space<vmem>>, vector<16xf32>,
        tpu.vector_store %arg8[%swap3A_128, %swap3A_129], %gather3A_127 {strides = array<i32>} : memref<16x128xf32, #tpu.memory_space<vmem>>, vector<16xf32>,
        %get3A_131 = arith.constant 64 : index
        %get3A_132 = tpu.vector_load %arg5[%get3A_131] {strides = array<i32>} : memref<128xi32, #tpu.memory_space<vmem>>, vector<16xi32>,
        %broadcast_in_dim3A_133 = vector.broadcast %scan3A_106 : i32 to vector<16xi32>
        %gather3A_134 = tpu.vector_load_idx %arg6[%broadcast_in_dim3A_133, %get3A_132] : memref<16x2048xf32, #tpu.memory_space<vmem>>[vector<16xi32>, vector<16xi32>], vector<16xf32>,
        %swap3A_135 = arith.index_cast %scan3A_106 : i32 to index
        %swap3A_136 = arith.constant 64 : index
        %swap3A_137 = tpu.vector_load %arg8[%swap3A_135, %swap3A_136] {strides = array<i32>} : memref<16x128xf32, #tpu.memory_space<vmem>>, vector<16xf32>,
        tpu.vector_store %arg8[%swap3A_135, %swap3A_136], %gather3A_134 {strides = array<i32>} : memref<16x128xf32, #tpu.memory_space<vmem>>, vector<16xf32>,
        %get3A_138 = arith.constant 80 : index
        %get3A_139 = tpu.vector_load %arg5[%get3A_138] {strides = array<i32>} : memref<128xi32, #tpu.memory_space<vmem>>, vector<16xi32>,
        %broadcast_in_dim3A_140 = vector.broadcast %scan3A_106 : i32 to vector<16xi32>
        %gather3A_141 = tpu.vector_load_idx %arg6[%broadcast_in_dim3A_140, %get3A_139] : memref<16x2048xf32, #tpu.memory_space<vmem>>[vector<16xi32>, vector<16xi32>], vector<16xf32>,
        %swap3A_142 = arith.index_cast %scan3A_106 : i32 to index
        %swap3A_143 = arith.constant 80 : index
        %swap3A_144 = tpu.vector_load %arg8[%swap3A_142, %swap3A_143] {strides = array<i32>} : memref<16x128xf32, #tpu.memory_space<vmem>>, vector<16xf32>,
        tpu.vector_store %arg8[%swap3A_142, %swap3A_143], %gather3A_141 {strides = array<i32>} : memref<16x128xf32, #tpu.memory_space<vmem>>, vector<16xf32>,
        %get3A_145 = arith.constant 96 : index
        %get3A_146 = tpu.vector_load %arg5[%get3A_145] {strides = array<i32>} : memref<128xi32, #tpu.memory_space<vmem>>, vector<16xi32>,
        %broadcast_in_dim3A_147 = vector.broadcast %scan3A_106 : i32 to vector<16xi32>
        %gather3A_148 = tpu.vector_load_idx %arg6[%broadcast_in_dim3A_147, %get3A_146] : memref<16x2048xf32, #tpu.memory_space<vmem>>[vector<16xi32>, vector<16xi32>], vector<16xf32>,
        %swap3A_149 = arith.index_cast %scan3A_106 : i32 to index
        %swap3A_150 = arith.constant 96 : index
        %swap3A_151 = tpu.vector_load %arg8[%swap3A_149, %swap3A_150] {strides = array<i32>} : memref<16x128xf32, #tpu.memory_space<vmem>>, vector<16xf32>,
        tpu.vector_store %arg8[%swap3A_149, %swap3A_150], %gather3A_148 {strides = array<i32>} : memref<16x128xf32, #tpu.memory_space<vmem>>, vector<16xf32>,
        %get3A_152 = arith.constant 112 : index
        %get3A_153 = tpu.vector_load %arg5[%get3A_152] {strides = array<i32>} : memref<128xi32, #tpu.memory_space<vmem>>, vector<16xi32>,
        %broadcast_in_dim3A_154 = vector.broadcast %scan3A_106 : i32 to vector<16xi32>
        %gather3A_155 = tpu.vector_load_idx %arg6[%broadcast_in_dim3A_154, %get3A_153] : memref<16x2048xf32, #tpu.memory_space<vmem>>[vector<16xi32>, vector<16xi32>], vector<16xf32>,
        %swap3A_156 = arith.index_cast %scan3A_106 : i32 to index
        %swap3A_157 = arith.constant 112 : index
        %swap3A_158 = tpu.vector_load %arg8[%swap3A_156, %swap3A_157] {strides = array<i32>} : memref<16x128xf32, #tpu.memory_space<vmem>>, vector<16xf32>,
        tpu.vector_store %arg8[%swap3A_156, %swap3A_157], %gather3A_155 {strides = array<i32>} : memref<16x128xf32, #tpu.memory_space<vmem>>, vector<16xf32>,
        %scan3A_159 = arith.constant 1 : i32
        %scan3A_160 = arith.addi %scan3A_106, %scan3A_159 : i32
        %get3A_161 = arith.constant 0 : index
        %get3A_162 = tpu.vector_load %arg5[%get3A_161] {strides = array<i32>} : memref<128xi32, #tpu.memory_space<vmem>>, vector<16xi32>,
        %broadcast_in_dim3A_163 = vector.broadcast %scan3A_160 : i32 to vector<16xi32>
        %gather3A_164 = tpu.vector_load_idx %arg6[%broadcast_in_dim3A_163, %get3A_162] : memref<16x2048xf32, #tpu.memory_space<vmem>>[vector<16xi32>, vector<16xi32>], vector<16xf32>,
        %swap3A_165 = arith.index_cast %scan3A_160 : i32 to index
        %swap3A_166 = arith.constant 0 : index
        %swap3A_167 = tpu.vector_load %arg8[%swap3A_165, %swap3A_166] {strides = array<i32>} : memref<16x128xf32, #tpu.memory_space<vmem>>, vector<16xf32>,
        tpu.vector_store %arg8[%swap3A_165, %swap3A_166], %gather3A_164 {strides = array<i32>} : memref<16x128xf32, #tpu.memory_space<vmem>>, vector<16xf32>,
        %get3A_168 = arith.constant 16 : index
        %get3A_169 = tpu.vector_load %arg5[%get3A_168] {strides = array<i32>} : memref<128xi32, #tpu.memory_space<vmem>>, vector<16xi32>,
        %broadcast_in_dim3A_170 = vector.broadcast %scan3A_160 : i32 to vector<16xi32>
        %gather3A_171 = tpu.vector_load_idx %arg6[%broadcast_in_dim3A_170, %get3A_169] : memref<16x2048xf32, #tpu.memory_space<vmem>>[vector<16xi32>, vector<16xi32>], vector<16xf32>,
        %swap3A_172 = arith.index_cast %scan3A_160 : i32 to index
        %swap3A_173 = arith.constant 16 : index
        %swap3A_174 = tpu.vector_load %arg8[%swap3A_172, %swap3A_173] {strides = array<i32>} : memref<16x128xf32, #tpu.memory_space<vmem>>, vector<16xf32>,
        tpu.vector_store %arg8[%swap3A_172, %swap3A_173], %gather3A_171 {strides = array<i32>} : memref<16x128xf32, #tpu.memory_space<vmem>>, vector<16xf32>,
        %get3A_175 = arith.constant 32 : index
        %get3A_176 = tpu.vector_load %arg5[%get3A_175] {strides = array<i32>} : memref<128xi32, #tpu.memory_space<vmem>>, vector<16xi32>,
        %broadcast_in_dim3A_177 = vector.broadcast %scan3A_160 : i32 to vector<16xi32>
        %gather3A_178 = tpu.vector_load_idx %arg6[%broadcast_in_dim3A_177, %get3A_176] : memref<16x2048xf32, #tpu.memory_space<vmem>>[vector<16xi32>, vector<16xi32>], vector<16xf32>,
        %swap3A_179 = arith.index_cast %scan3A_160 : i32 to index
        %swap3A_180 = arith.constant 32 : index
        %swap3A_181 = tpu.vector_load %arg8[%swap3A_179, %swap3A_180] {strides = array<i32>} : memref<16x128xf32, #tpu.memory_space<vmem>>, vector<16xf32>,
        tpu.vector_store %arg8[%swap3A_179, %swap3A_180], %gather3A_178 {strides = array<i32>} : memref<16x128xf32, #tpu.memory_space<vmem>>, vector<16xf32>,
        %get3A_182 = arith.constant 48 : index
        %get3A_183 = tpu.vector_load %arg5[%get3A_182] {strides = array<i32>} : memref<128xi32, #tpu.memory_space<vmem>>, vector<16xi32>,
        %broadcast_in_dim3A_184 = vector.broadcast %scan3A_160 : i32 to vector<16xi32>
        %gather3A_185 = tpu.vector_load_idx %arg6[%broadcast_in_dim3A_184, %get3A_183] : memref<16x2048xf32, #tpu.memory_space<vmem>>[vector<16xi32>, vector<16xi32>], vector<16xf32>,
        %swap3A_186 = arith.index_cast %scan3A_160 : i32 to index
        %swap3A_187 = arith.constant 48 : index
        %swap3A_188 = tpu.vector_load %arg8[%swap3A_186, %swap3A_187] {strides = array<i32>} : memref<16x128xf32, #tpu.memory_space<vmem>>, vector<16xf32>,
        tpu.vector_store %arg8[%swap3A_186, %swap3A_187], %gather3A_185 {strides = array<i32>} : memref<16x128xf32, #tpu.memory_space<vmem>>, vector<16xf32>,
        %get3A_189 = arith.constant 64 : index
        %get3A_190 = tpu.vector_load %arg5[%get3A_189] {strides = array<i32>} : memref<128xi32, #tpu.memory_space<vmem>>, vector<16xi32>,
        %broadcast_in_dim3A_191 = vector.broadcast %scan3A_160 : i32 to vector<16xi32>
        %gather3A_192 = tpu.vector_load_idx %arg6[%broadcast_in_dim3A_191, %get3A_190] : memref<16x2048xf32, #tpu.memory_space<vmem>>[vector<16xi32>, vector<16xi32>], vector<16xf32>,
        %swap3A_193 = arith.index_cast %scan3A_160 : i32 to index
        %swap3A_194 = arith.constant 64 : index
        %swap3A_195 = tpu.vector_load %arg8[%swap3A_193, %swap3A_194] {strides = array<i32>} : memref<16x128xf32, #tpu.memory_space<vmem>>, vector<16xf32>,
        tpu.vector_store %arg8[%swap3A_193, %swap3A_194], %gather3A_192 {strides = array<i32>} : memref<16x128xf32, #tpu.memory_space<vmem>>, vector<16xf32>,
        %get3A_196 = arith.constant 80 : index
        %get3A_197 = tpu.vector_load %arg5[%get3A_196] {strides = array<i32>} : memref<128xi32, #tpu.memory_space<vmem>>, vector<16xi32>,
        %broadcast_in_dim3A_198 = vector.broadcast %scan3A_160 : i32 to vector<16xi32>
        %gather3A_199 = tpu.vector_load_idx %arg6[%broadcast_in_dim3A_198, %get3A_197] : memref<16x2048xf32, #tpu.memory_space<vmem>>[vector<16xi32>, vector<16xi32>], vector<16xf32>,
        %swap3A_200 = arith.index_cast %scan3A_160 : i32 to index
        %swap3A_201 = arith.constant 80 : index
        %swap3A_202 = tpu.vector_load %arg8[%swap3A_200, %swap3A_201] {strides = array<i32>} : memref<16x128xf32, #tpu.memory_space<vmem>>, vector<16xf32>,
        tpu.vector_store %arg8[%swap3A_200, %swap3A_201], %gather3A_199 {strides = array<i32>} : memref<16x128xf32, #tpu.memory_space<vmem>>, vector<16xf32>,
        %get3A_203 = arith.constant 96 : index
        %get3A_204 = tpu.vector_load %arg5[%get3A_203] {strides = array<i32>} : memref<128xi32, #tpu.memory_space<vmem>>, vector<16xi32>,
        %broadcast_in_dim3A_205 = vector.broadcast %scan3A_160 : i32 to vector<16xi32>
        %gather3A_206 = tpu.vector_load_idx %arg6[%broadcast_in_dim3A_205, %get3A_204] : memref<16x2048xf32, #tpu.memory_space<vmem>>[vector<16xi32>, vector<16xi32>], vector<16xf32>,
        %swap3A_207 = arith.index_cast %scan3A_160 : i32 to index
        %swap3A_208 = arith.constant 96 : index
        %swap3A_209 = tpu.vector_load %arg8[%swap3A_207, %swap3A_208] {strides = array<i32>} : memref<16x128xf32, #tpu.memory_space<vmem>>, vector<16xf32>,
        tpu.vector_store %arg8[%swap3A_207, %swap3A_208], %gather3A_206 {strides = array<i32>} : memref<16x128xf32, #tpu.memory_space<vmem>>, vector<16xf32>,
        %get3A_210 = arith.constant 112 : index
        %get3A_211 = tpu.vector_load %arg5[%get3A_210] {strides = array<i32>} : memref<128xi32, #tpu.memory_space<vmem>>, vector<16xi32>,
        %broadcast_in_dim3A_212 = vector.broadcast %scan3A_160 : i32 to vector<16xi32>
        %gather3A_213 = tpu.vector_load_idx %arg6[%broadcast_in_dim3A_212, %get3A_211] : memref<16x2048xf32, #tpu.memory_space<vmem>>[vector<16xi32>, vector<16xi32>], vector<16xf32>,
        %swap3A_214 = arith.index_cast %scan3A_160 : i32 to index
        %swap3A_215 = arith.constant 112 : index
        %swap3A_216 = tpu.vector_load %arg8[%swap3A_214, %swap3A_215] {strides = array<i32>} : memref<16x128xf32, #tpu.memory_space<vmem>>, vector<16xf32>,
        tpu.vector_store %arg8[%swap3A_214, %swap3A_215], %gather3A_213 {strides = array<i32>} : memref<16x128xf32, #tpu.memory_space<vmem>>, vector<16xf32>,
      }
      %scan3A_56 = arith.constant 16 : i32
      %mul3A_57 = arith.constant 16 : i32
      %mul3A_58 = arith.muli %add3A_39, %mul3A_57 : i32
      %add3A_59 = arith.addi %mul3A_2, %mul3A_58 : i32
      %dma_start3A_60 = arith.constant 0 : i32
      %dma_start3A_61 = tpu.memref_slice %arg4[%add3A_59, %dma_start3A_60] : memref<4096x128xf32, #tpu.memory_space<hbm>> -> memref<16x128xf32, #tpu.memory_space<hbm>>
      %dma_start3A_62 = arith.constant 0 : i32
      %dma_start3A_63 = tpu.memref_slice %arg4[%add3A_59, %dma_start3A_62] : memref<4096x128xf32, #tpu.memory_space<hbm>> -> memref<16x128xf32, #tpu.memory_space<hbm>>
      tpu.enqueue_dma source(%arg8 : memref<16x128xf32, #tpu.memory_space<vmem>>) target(%dma_start3A_63 : memref<16x128xf32, #tpu.memory_space<hbm>>) target_semaphore(%arg12 : memref<!tpu.dma_semaphore, #tpu.memory_space<semaphore_mem>>)
      %add3A_64 = arith.constant 2 : i32
      %add3A_65 = arith.addi %add3A_39, %add3A_64 : i32
      %lt3A = arith.constant 8 : i32
      %lt3A_66 = arith.cmpi slt, %add3A_65, %lt3A : i32
      %convert_element_type3A_67 = arith.extui %lt3A_66 : i1 to i32
      %cond3A_68 = arith.constant 0 : i32
      %cond3A_69 = arith.cmpi ne, %convert_element_type3A_67, %cond3A_68 : i32
      scf.if %cond3A_69 {
        %add3A_106 = arith.constant 2 : i32
        %add3A_107 = arith.addi %add3A_39, %add3A_106 : i32
        %add3A_108 = arith.constant 12288 : i32
        %add3A_109 = arith.addi %add3A_108, %mul3A_2 : i32
        %mul3A_110 = arith.constant 16 : i32
        %mul3A_111 = arith.muli %add3A_107, %mul3A_110 : i32
        %add3A_112 = arith.addi %add3A_109, %mul3A_111 : i32
        %dma_start3A_113 = arith.constant 0 : i32
        %dma_start3A_114 = tpu.memref_slice %arg2[%add3A_112, %dma_start3A_113] : memref<16384x2048xf32, #tpu.memory_space<hbm>> -> memref<16x2048xf32, #tpu.memory_space<hbm>>
        %dma_start3A_115 = arith.constant 0 : i32
        %dma_start3A_116 = tpu.memref_slice %arg2[%add3A_112, %dma_start3A_115] : memref<16384x2048xf32, #tpu.memory_space<hbm>> -> memref<16x2048xf32, #tpu.memory_space<hbm>>
        tpu.enqueue_dma source(%dma_start3A_116 : memref<16x2048xf32, #tpu.memory_space<hbm>>) target(%arg6 : memref<16x2048xf32, #tpu.memory_space<vmem>>) target_semaphore(%arg10 : memref<!tpu.dma_semaphore, #tpu.memory_space<semaphore_mem>>)
      } else {
      }
      %add3A_70 = arith.constant 1 : i32
      %add3A_71 = arith.addi %add3A_37, %add3A_70 : i32
      %add3A_72 = arith.constant 12288 : i32
      %add3A_73 = arith.addi %add3A_72, %mul3A_2 : i32
      %mul3A_74 = arith.constant 16 : i32
      %mul3A_75 = arith.muli %add3A_71, %mul3A_74 : i32
      %add3A_76 = arith.addi %add3A_73, %mul3A_75 : i32
      %dma_wait3A_77 = arith.constant 0 : i32
      %dma_wait3A_78 = tpu.memref_slice %arg2[%add3A_76, %dma_wait3A_77] : memref<16384x2048xf32, #tpu.memory_space<hbm>> -> memref<16x2048xf32, #tpu.memory_space<hbm>>
      %dma_wait3A_79 = arith.constant 0 : i32
      %dma_wait3A_80 = tpu.memref_slice %arg2[%add3A_76, %dma_wait3A_79] : memref<16384x2048xf32, #tpu.memory_space<hbm>> -> memref<16x2048xf32, #tpu.memory_space<hbm>>
      tpu.wait_dma2 semaphore(%arg11 : memref<!tpu.dma_semaphore, #tpu.memory_space<semaphore_mem>>) src(%dma_wait3A_80 : memref<16x2048xf32, #tpu.memory_space<hbm>>) dst(%arg7 : memref<16x2048xf32, #tpu.memory_space<vmem>>)
      %gt3A_81 = arith.constant 0 : i32
      %gt3A_82 = arith.cmpi sgt, %add3A_37, %gt3A_81 : i32
      %convert_element_type3A_83 = arith.extui %gt3A_82 : i1 to i32
      %cond3A_84 = arith.constant 0 : i32
      %cond3A_85 = arith.cmpi ne, %convert_element_type3A_83, %cond3A_84 : i32
      scf.if %cond3A_85 {
        %sub3A = arith.constant 2 : i32
        %sub3A_106 = arith.subi %add3A_71, %sub3A : i32
        %mul3A_107 = arith.constant 16 : i32
        %mul3A_108 = arith.muli %sub3A_106, %mul3A_107 : i32
        %add3A_109 = arith.addi %mul3A_2, %mul3A_108 : i32
        %dma_wait3A_110 = arith.constant 0 : i32
        %dma_wait3A_111 = tpu.memref_slice %arg4[%add3A_109, %dma_wait3A_110] : memref<4096x128xf32, #tpu.memory_space<hbm>> -> memref<16x128xf32, #tpu.memory_space<hbm>>
        %dma_wait3A_112 = arith.constant 0 : i32
        %dma_wait3A_113 = tpu.memref_slice %arg4[%add3A_109, %dma_wait3A_112] : memref<4096x128xf32, #tpu.memory_space<hbm>> -> memref<16x128xf32, #tpu.memory_space<hbm>>
        tpu.wait_dma2 semaphore(%arg13 : memref<!tpu.dma_semaphore, #tpu.memory_space<semaphore_mem>>) src(%arg9 : memref<16x128xf32, #tpu.memory_space<vmem>>) dst(%dma_wait3A_113 : memref<16x128xf32, #tpu.memory_space<hbm>>)
      } else {
      }
      %scan3A_86 = arith.constant 0 : i32
      %scan3A_87 = arith.constant 0 : i32
      %scan3A_88 = arith.constant 16 : i32
      %scan3A_89 = arith.addi %scan3A_87, %scan3A_88 : i32
      %scan3A_90 = arith.constant 2 : i32
      scf.for %scan3A_106 = %scan3A_87 to %scan3A_89 step %scan3A_90  : i32 {
        %get3A = arith.constant 0 : index
        %get3A_107 = tpu.vector_load %arg5[%get3A] {strides = array<i32>} : memref<128xi32, #tpu.memory_space<vmem>>, vector<16xi32>,
        %broadcast_in_dim3A = vector.broadcast %scan3A_106 : i32 to vector<16xi32>
        %gather3A = tpu.vector_load_idx %arg7[%broadcast_in_dim3A, %get3A_107] : memref<16x2048xf32, #tpu.memory_space<vmem>>[vector<16xi32>, vector<16xi32>], vector<16xf32>,
        %swap3A = arith.index_cast %scan3A_106 : i32 to index
        %swap3A_108 = arith.constant 0 : index
        %swap3A_109 = tpu.vector_load %arg9[%swap3A, %swap3A_108] {strides = array<i32>} : memref<16x128xf32, #tpu.memory_space<vmem>>, vector<16xf32>,
        tpu.vector_store %arg9[%swap3A, %swap3A_108], %gather3A {strides = array<i32>} : memref<16x128xf32, #tpu.memory_space<vmem>>, vector<16xf32>,
        %get3A_110 = arith.constant 16 : index
        %get3A_111 = tpu.vector_load %arg5[%get3A_110] {strides = array<i32>} : memref<128xi32, #tpu.memory_space<vmem>>, vector<16xi32>,
        %broadcast_in_dim3A_112 = vector.broadcast %scan3A_106 : i32 to vector<16xi32>
        %gather3A_113 = tpu.vector_load_idx %arg7[%broadcast_in_dim3A_112, %get3A_111] : memref<16x2048xf32, #tpu.memory_space<vmem>>[vector<16xi32>, vector<16xi32>], vector<16xf32>,
        %swap3A_114 = arith.index_cast %scan3A_106 : i32 to index
        %swap3A_115 = arith.constant 16 : index
        %swap3A_116 = tpu.vector_load %arg9[%swap3A_114, %swap3A_115] {strides = array<i32>} : memref<16x128xf32, #tpu.memory_space<vmem>>, vector<16xf32>,
        tpu.vector_store %arg9[%swap3A_114, %swap3A_115], %gather3A_113 {strides = array<i32>} : memref<16x128xf32, #tpu.memory_space<vmem>>, vector<16xf32>,
        %get3A_117 = arith.constant 32 : index
        %get3A_118 = tpu.vector_load %arg5[%get3A_117] {strides = array<i32>} : memref<128xi32, #tpu.memory_space<vmem>>, vector<16xi32>,
        %broadcast_in_dim3A_119 = vector.broadcast %scan3A_106 : i32 to vector<16xi32>
        %gather3A_120 = tpu.vector_load_idx %arg7[%broadcast_in_dim3A_119, %get3A_118] : memref<16x2048xf32, #tpu.memory_space<vmem>>[vector<16xi32>, vector<16xi32>], vector<16xf32>,
        %swap3A_121 = arith.index_cast %scan3A_106 : i32 to index
        %swap3A_122 = arith.constant 32 : index
        %swap3A_123 = tpu.vector_load %arg9[%swap3A_121, %swap3A_122] {strides = array<i32>} : memref<16x128xf32, #tpu.memory_space<vmem>>, vector<16xf32>,
        tpu.vector_store %arg9[%swap3A_121, %swap3A_122], %gather3A_120 {strides = array<i32>} : memref<16x128xf32, #tpu.memory_space<vmem>>, vector<16xf32>,
        %get3A_124 = arith.constant 48 : index
        %get3A_125 = tpu.vector_load %arg5[%get3A_124] {strides = array<i32>} : memref<128xi32, #tpu.memory_space<vmem>>, vector<16xi32>,
        %broadcast_in_dim3A_126 = vector.broadcast %scan3A_106 : i32 to vector<16xi32>
        %gather3A_127 = tpu.vector_load_idx %arg7[%broadcast_in_dim3A_126, %get3A_125] : memref<16x2048xf32, #tpu.memory_space<vmem>>[vector<16xi32>, vector<16xi32>], vector<16xf32>,
        %swap3A_128 = arith.index_cast %scan3A_106 : i32 to index
        %swap3A_129 = arith.constant 48 : index
        %swap3A_130 = tpu.vector_load %arg9[%swap3A_128, %swap3A_129] {strides = array<i32>} : memref<16x128xf32, #tpu.memory_space<vmem>>, vector<16xf32>,
        tpu.vector_store %arg9[%swap3A_128, %swap3A_129], %gather3A_127 {strides = array<i32>} : memref<16x128xf32, #tpu.memory_space<vmem>>, vector<16xf32>,
        %get3A_131 = arith.constant 64 : index
        %get3A_132 = tpu.vector_load %arg5[%get3A_131] {strides = array<i32>} : memref<128xi32, #tpu.memory_space<vmem>>, vector<16xi32>,
        %broadcast_in_dim3A_133 = vector.broadcast %scan3A_106 : i32 to vector<16xi32>
        %gather3A_134 = tpu.vector_load_idx %arg7[%broadcast_in_dim3A_133, %get3A_132] : memref<16x2048xf32, #tpu.memory_space<vmem>>[vector<16xi32>, vector<16xi32>], vector<16xf32>,
        %swap3A_135 = arith.index_cast %scan3A_106 : i32 to index
        %swap3A_136 = arith.constant 64 : index
        %swap3A_137 = tpu.vector_load %arg9[%swap3A_135, %swap3A_136] {strides = array<i32>} : memref<16x128xf32, #tpu.memory_space<vmem>>, vector<16xf32>,
        tpu.vector_store %arg9[%swap3A_135, %swap3A_136], %gather3A_134 {strides = array<i32>} : memref<16x128xf32, #tpu.memory_space<vmem>>, vector<16xf32>,
        %get3A_138 = arith.constant 80 : index
        %get3A_139 = tpu.vector_load %arg5[%get3A_138] {strides = array<i32>} : memref<128xi32, #tpu.memory_space<vmem>>, vector<16xi32>,
        %broadcast_in_dim3A_140 = vector.broadcast %scan3A_106 : i32 to vector<16xi32>
        %gather3A_141 = tpu.vector_load_idx %arg7[%broadcast_in_dim3A_140, %get3A_139] : memref<16x2048xf32, #tpu.memory_space<vmem>>[vector<16xi32>, vector<16xi32>], vector<16xf32>,
        %swap3A_142 = arith.index_cast %scan3A_106 : i32 to index
        %swap3A_143 = arith.constant 80 : index
        %swap3A_144 = tpu.vector_load %arg9[%swap3A_142, %swap3A_143] {strides = array<i32>} : memref<16x128xf32, #tpu.memory_space<vmem>>, vector<16xf32>,
        tpu.vector_store %arg9[%swap3A_142, %swap3A_143], %gather3A_141 {strides = array<i32>} : memref<16x128xf32, #tpu.memory_space<vmem>>, vector<16xf32>,
        %get3A_145 = arith.constant 96 : index
        %get3A_146 = tpu.vector_load %arg5[%get3A_145] {strides = array<i32>} : memref<128xi32, #tpu.memory_space<vmem>>, vector<16xi32>,
        %broadcast_in_dim3A_147 = vector.broadcast %scan3A_106 : i32 to vector<16xi32>
        %gather3A_148 = tpu.vector_load_idx %arg7[%broadcast_in_dim3A_147, %get3A_146] : memref<16x2048xf32, #tpu.memory_space<vmem>>[vector<16xi32>, vector<16xi32>], vector<16xf32>,
        %swap3A_149 = arith.index_cast %scan3A_106 : i32 to index
        %swap3A_150 = arith.constant 96 : index
        %swap3A_151 = tpu.vector_load %arg9[%swap3A_149, %swap3A_150] {strides = array<i32>} : memref<16x128xf32, #tpu.memory_space<vmem>>, vector<16xf32>,
        tpu.vector_store %arg9[%swap3A_149, %swap3A_150], %gather3A_148 {strides = array<i32>} : memref<16x128xf32, #tpu.memory_space<vmem>>, vector<16xf32>,
        %get3A_152 = arith.constant 112 : index
        %get3A_153 = tpu.vector_load %arg5[%get3A_152] {strides = array<i32>} : memref<128xi32, #tpu.memory_space<vmem>>, vector<16xi32>,
        %broadcast_in_dim3A_154 = vector.broadcast %scan3A_106 : i32 to vector<16xi32>
        %gather3A_155 = tpu.vector_load_idx %arg7[%broadcast_in_dim3A_154, %get3A_153] : memref<16x2048xf32, #tpu.memory_space<vmem>>[vector<16xi32>, vector<16xi32>], vector<16xf32>,
        %swap3A_156 = arith.index_cast %scan3A_106 : i32 to index
        %swap3A_157 = arith.constant 112 : index
        %swap3A_158 = tpu.vector_load %arg9[%swap3A_156, %swap3A_157] {strides = array<i32>} : memref<16x128xf32, #tpu.memory_space<vmem>>, vector<16xf32>,
        tpu.vector_store %arg9[%swap3A_156, %swap3A_157], %gather3A_155 {strides = array<i32>} : memref<16x128xf32, #tpu.memory_space<vmem>>, vector<16xf32>,
        %scan3A_159 = arith.constant 1 : i32
        %scan3A_160 = arith.addi %scan3A_106, %scan3A_159 : i32
        %get3A_161 = arith.constant 0 : index
        %get3A_162 = tpu.vector_load %arg5[%get3A_161] {strides = array<i32>} : memref<128xi32, #tpu.memory_space<vmem>>, vector<16xi32>,
        %broadcast_in_dim3A_163 = vector.broadcast %scan3A_160 : i32 to vector<16xi32>
        %gather3A_164 = tpu.vector_load_idx %arg7[%broadcast_in_dim3A_163, %get3A_162] : memref<16x2048xf32, #tpu.memory_space<vmem>>[vector<16xi32>, vector<16xi32>], vector<16xf32>,
        %swap3A_165 = arith.index_cast %scan3A_160 : i32 to index
        %swap3A_166 = arith.constant 0 : index
        %swap3A_167 = tpu.vector_load %arg9[%swap3A_165, %swap3A_166] {strides = array<i32>} : memref<16x128xf32, #tpu.memory_space<vmem>>, vector<16xf32>,
        tpu.vector_store %arg9[%swap3A_165, %swap3A_166], %gather3A_164 {strides = array<i32>} : memref<16x128xf32, #tpu.memory_space<vmem>>, vector<16xf32>,
        %get3A_168 = arith.constant 16 : index
        %get3A_169 = tpu.vector_load %arg5[%get3A_168] {strides = array<i32>} : memref<128xi32, #tpu.memory_space<vmem>>, vector<16xi32>,
        %broadcast_in_dim3A_170 = vector.broadcast %scan3A_160 : i32 to vector<16xi32>
        %gather3A_171 = tpu.vector_load_idx %arg7[%broadcast_in_dim3A_170, %get3A_169] : memref<16x2048xf32, #tpu.memory_space<vmem>>[vector<16xi32>, vector<16xi32>], vector<16xf32>,
        %swap3A_172 = arith.index_cast %scan3A_160 : i32 to index
        %swap3A_173 = arith.constant 16 : index
        %swap3A_174 = tpu.vector_load %arg9[%swap3A_172, %swap3A_173] {strides = array<i32>} : memref<16x128xf32, #tpu.memory_space<vmem>>, vector<16xf32>,
        tpu.vector_store %arg9[%swap3A_172, %swap3A_173], %gather3A_171 {strides = array<i32>} : memref<16x128xf32, #tpu.memory_space<vmem>>, vector<16xf32>,
        %get3A_175 = arith.constant 32 : index
        %get3A_176 = tpu.vector_load %arg5[%get3A_175] {strides = array<i32>} : memref<128xi32, #tpu.memory_space<vmem>>, vector<16xi32>,
        %broadcast_in_dim3A_177 = vector.broadcast %scan3A_160 : i32 to vector<16xi32>
        %gather3A_178 = tpu.vector_load_idx %arg7[%broadcast_in_dim3A_177, %get3A_176] : memref<16x2048xf32, #tpu.memory_space<vmem>>[vector<16xi32>, vector<16xi32>], vector<16xf32>,
        %swap3A_179 = arith.index_cast %scan3A_160 : i32 to index
        %swap3A_180 = arith.constant 32 : index
        %swap3A_181 = tpu.vector_load %arg9[%swap3A_179, %swap3A_180] {strides = array<i32>} : memref<16x128xf32, #tpu.memory_space<vmem>>, vector<16xf32>,
        tpu.vector_store %arg9[%swap3A_179, %swap3A_180], %gather3A_178 {strides = array<i32>} : memref<16x128xf32, #tpu.memory_space<vmem>>, vector<16xf32>,
        %get3A_182 = arith.constant 48 : index
        %get3A_183 = tpu.vector_load %arg5[%get3A_182] {strides = array<i32>} : memref<128xi32, #tpu.memory_space<vmem>>, vector<16xi32>,
        %broadcast_in_dim3A_184 = vector.broadcast %scan3A_160 : i32 to vector<16xi32>
        %gather3A_185 = tpu.vector_load_idx %arg7[%broadcast_in_dim3A_184, %get3A_183] : memref<16x2048xf32, #tpu.memory_space<vmem>>[vector<16xi32>, vector<16xi32>], vector<16xf32>,
        %swap3A_186 = arith.index_cast %scan3A_160 : i32 to index
        %swap3A_187 = arith.constant 48 : index
        %swap3A_188 = tpu.vector_load %arg9[%swap3A_186, %swap3A_187] {strides = array<i32>} : memref<16x128xf32, #tpu.memory_space<vmem>>, vector<16xf32>,
        tpu.vector_store %arg9[%swap3A_186, %swap3A_187], %gather3A_185 {strides = array<i32>} : memref<16x128xf32, #tpu.memory_space<vmem>>, vector<16xf32>,
        %get3A_189 = arith.constant 64 : index
        %get3A_190 = tpu.vector_load %arg5[%get3A_189] {strides = array<i32>} : memref<128xi32, #tpu.memory_space<vmem>>, vector<16xi32>,
        %broadcast_in_dim3A_191 = vector.broadcast %scan3A_160 : i32 to vector<16xi32>
        %gather3A_192 = tpu.vector_load_idx %arg7[%broadcast_in_dim3A_191, %get3A_190] : memref<16x2048xf32, #tpu.memory_space<vmem>>[vector<16xi32>, vector<16xi32>], vector<16xf32>,
        %swap3A_193 = arith.index_cast %scan3A_160 : i32 to index
        %swap3A_194 = arith.constant 64 : index
        %swap3A_195 = tpu.vector_load %arg9[%swap3A_193, %swap3A_194] {strides = array<i32>} : memref<16x128xf32, #tpu.memory_space<vmem>>, vector<16xf32>,
        tpu.vector_store %arg9[%swap3A_193, %swap3A_194], %gather3A_192 {strides = array<i32>} : memref<16x128xf32, #tpu.memory_space<vmem>>, vector<16xf32>,
        %get3A_196 = arith.constant 80 : index
        %get3A_197 = tpu.vector_load %arg5[%get3A_196] {strides = array<i32>} : memref<128xi32, #tpu.memory_space<vmem>>, vector<16xi32>,
        %broadcast_in_dim3A_198 = vector.broadcast %scan3A_160 : i32 to vector<16xi32>
        %gather3A_199 = tpu.vector_load_idx %arg7[%broadcast_in_dim3A_198, %get3A_197] : memref<16x2048xf32, #tpu.memory_space<vmem>>[vector<16xi32>, vector<16xi32>], vector<16xf32>,
        %swap3A_200 = arith.index_cast %scan3A_160 : i32 to index
        %swap3A_201 = arith.constant 80 : index
        %swap3A_202 = tpu.vector_load %arg9[%swap3A_200, %swap3A_201] {strides = array<i32>} : memref<16x128xf32, #tpu.memory_space<vmem>>, vector<16xf32>,
        tpu.vector_store %arg9[%swap3A_200, %swap3A_201], %gather3A_199 {strides = array<i32>} : memref<16x128xf32, #tpu.memory_space<vmem>>, vector<16xf32>,
        %get3A_203 = arith.constant 96 : index
        %get3A_204 = tpu.vector_load %arg5[%get3A_203] {strides = array<i32>} : memref<128xi32, #tpu.memory_space<vmem>>, vector<16xi32>,
        %broadcast_in_dim3A_205 = vector.broadcast %scan3A_160 : i32 to vector<16xi32>
        %gather3A_206 = tpu.vector_load_idx %arg7[%broadcast_in_dim3A_205, %get3A_204] : memref<16x2048xf32, #tpu.memory_space<vmem>>[vector<16xi32>, vector<16xi32>], vector<16xf32>,
        %swap3A_207 = arith.index_cast %scan3A_160 : i32 to index
        %swap3A_208 = arith.constant 96 : index
        %swap3A_209 = tpu.vector_load %arg9[%swap3A_207, %swap3A_208] {strides = array<i32>} : memref<16x128xf32, #tpu.memory_space<vmem>>, vector<16xf32>,
        tpu.vector_store %arg9[%swap3A_207, %swap3A_208], %gather3A_206 {strides = array<i32>} : memref<16x128xf32, #tpu.memory_space<vmem>>, vector<16xf32>,
        %get3A_210 = arith.constant 112 : index
        %get3A_211 = tpu.vector_load %arg5[%get3A_210] {strides = array<i32>} : memref<128xi32, #tpu.memory_space<vmem>>, vector<16xi32>,
        %broadcast_in_dim3A_212 = vector.broadcast %scan3A_160 : i32 to vector<16xi32>
        %gather3A_213 = tpu.vector_load_idx %arg7[%broadcast_in_dim3A_212, %get3A_211] : memref<16x2048xf32, #tpu.memory_space<vmem>>[vector<16xi32>, vector<16xi32>], vector<16xf32>,
        %swap3A_214 = arith.index_cast %scan3A_160 : i32 to index
        %swap3A_215 = arith.constant 112 : index
        %swap3A_216 = tpu.vector_load %arg9[%swap3A_214, %swap3A_215] {strides = array<i32>} : memref<16x128xf32, #tpu.memory_space<vmem>>, vector<16xf32>,
        tpu.vector_store %arg9[%swap3A_214, %swap3A_215], %gather3A_213 {strides = array<i32>} : memref<16x128xf32, #tpu.memory_space<vmem>>, vector<16xf32>,
      }
      %scan3A_91 = arith.constant 16 : i32
      %mul3A_92 = arith.constant 16 : i32
      %mul3A_93 = arith.muli %add3A_71, %mul3A_92 : i32
      %add3A_94 = arith.addi %mul3A_2, %mul3A_93 : i32
      %dma_start3A_95 = arith.constant 0 : i32
      %dma_start3A_96 = tpu.memref_slice %arg4[%add3A_94, %dma_start3A_95] : memref<4096x128xf32, #tpu.memory_space<hbm>> -> memref<16x128xf32, #tpu.memory_space<hbm>>
      %dma_start3A_97 = arith.constant 0 : i32
      %dma_start3A_98 = tpu.memref_slice %arg4[%add3A_94, %dma_start3A_97] : memref<4096x128xf32, #tpu.memory_space<hbm>> -> memref<16x128xf32, #tpu.memory_space<hbm>>
      tpu.enqueue_dma source(%arg9 : memref<16x128xf32, #tpu.memory_space<vmem>>) target(%dma_start3A_98 : memref<16x128xf32, #tpu.memory_space<hbm>>) target_semaphore(%arg13 : memref<!tpu.dma_semaphore, #tpu.memory_space<semaphore_mem>>)
      %add3A_99 = arith.constant 2 : i32
      %add3A_100 = arith.addi %add3A_71, %add3A_99 : i32
      %lt3A_101 = arith.constant 8 : i32
      %lt3A_102 = arith.cmpi slt, %add3A_100, %lt3A_101 : i32
      %convert_element_type3A_103 = arith.extui %lt3A_102 : i1 to i32
      %cond3A_104 = arith.constant 0 : i32
      %cond3A_105 = arith.cmpi ne, %convert_element_type3A_103, %cond3A_104 : i32
      scf.if %cond3A_105 {
        %add3A_106 = arith.constant 2 : i32
        %add3A_107 = arith.addi %add3A_71, %add3A_106 : i32
        %add3A_108 = arith.constant 12288 : i32
        %add3A_109 = arith.addi %add3A_108, %mul3A_2 : i32
        %mul3A_110 = arith.constant 16 : i32
        %mul3A_111 = arith.muli %add3A_107, %mul3A_110 : i32
        %add3A_112 = arith.addi %add3A_109, %mul3A_111 : i32
        %dma_start3A_113 = arith.constant 0 : i32
        %dma_start3A_114 = tpu.memref_slice %arg2[%add3A_112, %dma_start3A_113] : memref<16384x2048xf32, #tpu.memory_space<hbm>> -> memref<16x2048xf32, #tpu.memory_space<hbm>>
        %dma_start3A_115 = arith.constant 0 : i32
        %dma_start3A_116 = tpu.memref_slice %arg2[%add3A_112, %dma_start3A_115] : memref<16384x2048xf32, #tpu.memory_space<hbm>> -> memref<16x2048xf32, #tpu.memory_space<hbm>>
        tpu.enqueue_dma source(%dma_start3A_116 : memref<16x2048xf32, #tpu.memory_space<hbm>>) target(%arg7 : memref<16x2048xf32, #tpu.memory_space<vmem>>) target_semaphore(%arg11 : memref<!tpu.dma_semaphore, #tpu.memory_space<semaphore_mem>>)
      } else {
      }
    }
    %scan3A_21 = arith.constant 4 : i32
    %add3A_22 = arith.constant 96 : i32
    %add3A_23 = arith.addi %mul3A_2, %add3A_22 : i32
    %dma_wait3A = arith.constant 0 : i32
    %dma_wait3A_24 = tpu.memref_slice %arg4[%add3A_23, %dma_wait3A] : memref<4096x128xf32, #tpu.memory_space<hbm>> -> memref<16x128xf32, #tpu.memory_space<hbm>>
    %dma_wait3A_25 = arith.constant 0 : i32
    %dma_wait3A_26 = tpu.memref_slice %arg4[%add3A_23, %dma_wait3A_25] : memref<4096x128xf32, #tpu.memory_space<hbm>> -> memref<16x128xf32, #tpu.memory_space<hbm>>
    tpu.wait_dma2 semaphore(%arg12 : memref<!tpu.dma_semaphore, #tpu.memory_space<semaphore_mem>>) src(%arg8 : memref<16x128xf32, #tpu.memory_space<vmem>>) dst(%dma_wait3A_26 : memref<16x128xf32, #tpu.memory_space<hbm>>)
    %add3A_27 = arith.constant 112 : i32
    %add3A_28 = arith.addi %mul3A_2, %add3A_27 : i32
    %dma_wait3A_29 = arith.constant 0 : i32
    %dma_wait3A_30 = tpu.memref_slice %arg4[%add3A_28, %dma_wait3A_29] : memref<4096x128xf32, #tpu.memory_space<hbm>> -> memref<16x128xf32, #tpu.memory_space<hbm>>
    %dma_wait3A_31 = arith.constant 0 : i32
    %dma_wait3A_32 = tpu.memref_slice %arg4[%add3A_28, %dma_wait3A_31] : memref<4096x128xf32, #tpu.memory_space<hbm>> -> memref<16x128xf32, #tpu.memory_space<hbm>>
    tpu.wait_dma2 semaphore(%arg13 : memref<!tpu.dma_semaphore, #tpu.memory_space<semaphore_mem>>) src(%arg9 : memref<16x128xf32, #tpu.memory_space<vmem>>) dst(%dma_wait3A_32 : memref<16x128xf32, #tpu.memory_space<hbm>>)
    return
  }
}

module attributes {stable_mosaic.version = 14 : i64} {
  func.func @_tc_body(%arg0: i32, %arg1: memref<1x128xi32, #tpu.memory_space<vmem>>, %arg2: memref<1024x2048xf32, #tpu.memory_space<vmem>>, %arg3: memref<1024x128xf32, #tpu.memory_space<vmem>>) attributes {dimension_semantics = [#tpu.dimension_semantics<arbitrary>], iteration_bounds = array<i64: 12>, scalar_prefetch = 0 : i64, scratch_operands = 0 : i64, tpu.core_type = #tpu.core_type<tc>, window_params = [{pipeline_mode = #tpu.pipeline_mode<synchronous>, transform_indices = @transform_0, window_bounds = array<i64: 1, 128>}, {transform_indices = @transform_1, window_bounds = array<i64: 1024, 2048>}, {transform_indices = @transform_2, window_bounds = array<i64: 1024, 128>}]} {
    %get3A = arith.constant 0 : index
    %get3A_0 = arith.constant 0 : index
    %get3A_1 = vector.load %arg1[%get3A, %get3A_0] : memref<1x128xi32, #tpu.memory_space<vmem>>, vector<1x128xi32>
    %get3A_2 = vector.shape_cast %get3A_1 : vector<1x128xi32> to vector<128xi32>
    %iota3A = tpu.iota {dimensions = array<i32: 0>} : vector<2048x128xi32>
    %broadcast_in_dim3A = vector.shape_cast %get3A_2 : vector<128xi32> to vector<1x128xi32>
    %eq3A = vector.broadcast %broadcast_in_dim3A : vector<1x128xi32> to vector<2048x128xi32>
    %eq3A_3 = arith.cmpi eq, %iota3A, %eq3A : vector<2048x128xi32>
    %convert_element_type3A = arith.extui %eq3A_3 : vector<2048x128xi1> to vector<2048x128xi32>
    %convert_element_type3A_4 = arith.sitofp %convert_element_type3A : vector<2048x128xi32> to vector<2048x128xf32>
    %get3A_5 = arith.constant 0 : index
    %get3A_6 = arith.constant 0 : index
    %get3A_7 = vector.load %arg2[%get3A_5, %get3A_6] : memref<1024x2048xf32, #tpu.memory_space<vmem>>, vector<1024x2048xf32>
    %dot_general3A = arith.constant dense<0.000000e+00> : vector<1024x128xf32>
    %dot_general3A_8 = tpu.matmul %get3A_7, %convert_element_type3A_4, %dot_general3A {dimension_numbers = #tpu.dot_dimension_numbers<[1], [0], [0], [1], [0, 0, 1, 1], [], []>, transpose_lhs_hint = false} : vector<1024x2048xf32>, vector<2048x128xf32>, vector<1024x128xf32> -> vector<1024x128xf32>
    %swap3A = arith.constant 0 : index
    %swap3A_9 = arith.constant 0 : index
    %swap3A_10 = vector.load %arg3[%swap3A, %swap3A_9] : memref<1024x128xf32, #tpu.memory_space<vmem>>, vector<1024x128xf32>
    tpu.vector_store %arg3[%swap3A, %swap3A_9], %dot_general3A_8 {strides = array<i32>} : memref<1024x128xf32, #tpu.memory_space<vmem>>, vector<1024x128xf32>,
    return
  }
  func.func @transform_0(%arg0: i32) -> (i32, i32) {
    %c0_i32 = arith.constant 0 : i32
    %c0_i32_0 = arith.constant 0 : i32
    %c0_i32_1 = arith.constant 0 : i32
    return %c0_i32, %c0_i32_0 : i32, i32
  }
  func.func @transform_1(%arg0: i32) -> (i32, i32) {
    %c0_i32 = arith.constant 0 : i32
    %c0_i32_0 = arith.constant 0 : i32
    return %arg0, %c0_i32 : i32, i32
  }
  func.func @transform_2(%arg0: i32) -> (i32, i32) {
    %c0_i32 = arith.constant 0 : i32
    %c0_i32_0 = arith.constant 0 : i32
    return %arg0, %c0_i32 : i32, i32
  }
}

</mosaic_0001>

<sc_bundles>
// kernel: kernel.4.cloned.1.call-start
scs
__scs_entry_jumppad:
0x0: {  	(pc) =	sbr.rel $0x88, $3  }
0x1: {  	(tag) =	ssettag $0x0;
	lr =	simm.s32 $0x1  }
0x2: {  	[smem:$0x3F9F] =	sst lr;
	_ =	strace $0xD0000000  }
0x3: {  	_ = 	snop  }
0x4: {  	_ = 	snop  }
0x5: {  	_ = 	snop  }
0x6: {  	_ = 	snop  }
0x7: {  	_ = 	snop  }
__scs_overlays_trampoline_lowered:
0x8: {  	[smem:$0x3FAE] =	sst s0  }
0x9: {  	[smem:$0x3FAF] =	sst s1  }
0xa: {  	[smem:$0x3FB0] =	sst s2  }
0xb: {  	[smem:$0x3FB1] =	sst s3  }
0xc: {  	[smem:$0x3FB2] =	sst s4  }
0xd: {  	[smem:$0x3FB3] =	sst s5  }
0xe: {  	[smem:$0x3FB4] =	sst s6  }
0xf: {  	[smem:$0x3FB5] =	sst s7  }
0x10: {  	[smem:$0x3FB6] =	sst s8  }
0x11: {  	[smem:$0x3FB7] =	sst s9;
	s0 =	simm.s32 @!p0 $0x0  }
0x12: {  	s1 =	sld [smem:$0x3F9D];
	s0 =	simm.s32 @p0 $0x1  }
0x13: {  	[smem:$0x3FB8] =	sst s0;
	s0 =	simm.s32 @!p1 $0x0  }
0x14: {  	s2 =	sld [smem:$0x3F9C];
	s0 =	simm.s32 @p1 $0x1  }
0x15: {  	[smem:$0x3FB9] =	sst s0;
	s0 =	simm.s32 @!p2 $0x0  }
0x16: {  	s3 =	sld [smem:$0x3FDB];
	s0 =	simm.s32 @p2 $0x1  }
0x17: {  	s4 =	simm.s32 $0x1BF5;
	[smem:$0x3FBB] =	sst s0  }
0x18: {  	s0 =	sld [smem:$0x3F9E];
	_ =	swait.ge [sflag:s4], $0x0  }
0x19: {  	s7 =	sld [smem:$0x3F9F]  }
0x1a: {  	s8 =	sadd.s32 $0xFFFFE003, lr  }
0x1b: {  	s9 =	sadd.s32 $0xFFFFFEF7, lr;
	s5 =	simm.s32 $0xFFFFFFFF;
	p2 =	slt.u32 s8, $0xFFFFF086  }
0x1c: {  	p1 =	slt.u32 s9, $0xF7A;
	s5 =	simm.s32 @!p2 $0x0  }
0x1d: {  	s5 =	simm.s32 @p1 $0x1;
	p0 =	seq.s32 s7, s2  }
0x1e: {  	s7 =	smul.u32 @!p0 $0xF7A, s2;
	p2 =	seq.s32 @!p0 s5, $0x0  }
0x1f: {  	s9 =	smul.u32 $0xF7A, s1;
	s8 =	simm.s32 @!p0 $0x1BF5;
	p2 =	por !p2, p0  }
0x20: {  	[sflag:s8] =	ssyncset.s32 @!p0 $0xFFFFF086;
	s6 =	sadd.s32 @!p0 s3, s7;
	s7 =	simm.s32 @!p0 $0x108  }
0x21: {  	s3 =	sadd.s32 s3, s9;
	s6 =	sadd.s32 @!p0 $0x88, s6;
	s7 =	simm.s32 @p2 $0x1082  }
0x22: {  	[simem:s7], [sflag:s8] =	dma.local @!p0 [hbm:s6], $0xF7A  }
0x23: {  	s9 =	sor.u32 $0xD0000000, s2;
	s6 =	simm.s32 $0x108;
	_ =	swait.ge @!p0 [sflag:s8], $0x0  }
0x24: {  	s3 =	sadd.s32 $0x88, s3;
	s6 =	simm.s32 @!p1 $0x1082;
	[sflag:s4] =	ssyncset.s32 $0xFFFFF086  }
0x25: {  	[simem:s6], [sflag:s4] =	dma.local [hbm:s3], $0xF7A  }
0x26: {  	[smem:$0x3F9F] =	sst s1;
	(tag) =	ssettag s2;
	_ =	strace s9  }
0x27: {  	s1 =	sld [smem:$0x3FAF]  }
0x28: {  	s2 =	sld [smem:$0x3FB0]  }
0x29: {  	s4 =	sld [smem:$0x3FB2]  }
0x2a: {  	p0 =	seq.s32 s5, $0x0;
	s5 =	sld [smem:$0x3FB3]  }
0x2b: {  	s6 =	sld [smem:$0x3FB4]  }
0x2c: {  	s7 =	sld [smem:$0x3FB5]  }
0x2d: {  	s3 =	simm.s32 $0x108;
	s8 =	sld [smem:$0x3FB6]  }
0x2e: {  	s3 =	simm.s32 @!p0 $0x1082;
	s9 =	sld [smem:$0x3FB7]  }
0x2f: {  	lr =	sadd.s32 s0, s3;
	s0 =	sld [smem:$0x3FAE]  }
0x30: {  	s3 =	sld [smem:$0x3FB1]  }
0x31: {  	[smem:$0x3FBA] =	sst s10  }
0x32: {  	s10 =	sld [smem:$0x3FB8];
	_ =	sdelay $0x3  }
0x33: {  	p0 =	seq.s32 s10, $0x1;
	s10 =	sld [smem:$0x3FBA];
	_ =	sdelay $0x3  }
0x34: {  	[smem:$0x3FBA] =	sst s10  }
0x35: {  	s10 =	sld [smem:$0x3FB9];
	_ =	sdelay $0x3  }
0x36: {  	p1 =	seq.s32 s10, $0x1;
	s10 =	sld [smem:$0x3FBA];
	_ =	sdelay $0x3  }
0x37: {  	[smem:$0x3FBA] =	sst s10  }
0x38: {  	s10 =	sld [smem:$0x3FBB]  }
0x39: {  	_ = 	snop;
	(pc) =	sbr.ind lr, $3  }
0x3a: {  	_ = 	snop  }
0x3b: {  	_ = 	snop  }
0x3c: {  	p2 =	seq.s32 s10, $0x1;
	s10 =	sld [smem:$0x3FBA]  }
0x3d: {  	_ =	shalt  }
0x3e: {  	_ =	shalt  }
0x3f: {  	_ =	shalt  }
0x40: {  	_ =	shalt  }
0x41: {  	_ =	shalt  }
0x42: {  	_ =	shalt  }
0x43: {  	_ =	shalt  }
0x44: {  	_ =	shalt  }
0x45: {  	_ =	shalt  }
0x46: {  	_ =	shalt  }
0x47: {  	_ =	shalt  }
0x48: {  	_ =	shalt  }
0x49: {  	_ =	shalt  }
0x4a: {  	_ =	shalt  }
0x4b: {  	_ =	shalt  }
0x4c: {  	_ =	shalt  }
0x4d: {  	_ =	shalt  }
0x4e: {  	_ =	shalt  }
0x4f: {  	_ =	shalt  }
0x50: {  	_ =	shalt  }
0x51: {  	_ =	shalt  }
0x52: {  	_ =	shalt  }
0x53: {  	_ =	shalt  }
0x54: {  	_ =	shalt  }
0x55: {  	_ =	shalt  }
0x56: {  	_ =	shalt  }
0x57: {  	_ =	shalt  }
0x58: {  	_ =	shalt  }
0x59: {  	_ =	shalt  }
0x5a: {  	_ =	shalt  }
0x5b: {  	_ =	shalt  }
0x5c: {  	_ =	shalt  }
0x5d: {  	_ =	shalt  }
0x5e: {  	_ =	shalt  }
0x5f: {  	_ =	shalt  }
0x60: {  	_ =	shalt  }
0x61: {  	_ =	shalt  }
0x62: {  	_ =	shalt  }
0x63: {  	_ =	shalt  }
0x64: {  	_ =	shalt  }
0x65: {  	_ =	shalt  }
0x66: {  	_ =	shalt  }
0x67: {  	_ =	shalt  }
0x68: {  	_ =	shalt  }
0x69: {  	_ =	shalt  }
0x6a: {  	_ =	shalt  }
0x6b: {  	_ =	shalt  }
0x6c: {  	_ =	shalt  }
0x6d: {  	_ =	shalt  }
0x6e: {  	_ =	shalt  }
0x6f: {  	_ =	shalt  }
0x70: {  	_ =	shalt  }
0x71: {  	_ =	shalt  }
0x72: {  	_ =	shalt  }
0x73: {  	_ =	shalt  }
0x74: {  	_ =	shalt  }
0x75: {  	_ =	shalt  }
0x76: {  	_ =	shalt  }
0x77: {  	_ =	shalt  }
0x78: {  	_ =	shalt  }
0x79: {  	_ =	shalt  }
0x7a: {  	_ =	shalt  }
0x7b: {  	_ =	shalt  }
0x7c: {  	_ =	shalt  }
0x7d: {  	_ =	shalt  }
0x7e: {  	_ =	shalt  }
0x7f: {  	_ =	shalt  }
0x80: {  	_ =	shalt  }
0x81: {  	_ =	shalt  }
0x82: {  	_ =	shalt  }
0x83: {  	_ =	shalt  }
0x84: {  	_ =	shalt  }
0x85: {  	_ =	shalt  }
0x86: {  	_ =	shalt  }
0x87: {  	_ =	shalt  }
.Lfunc_end0:
.L_simem_size_0:
called_computation_lowered:
.L_overlay_start_0:
0x88: {  	s2 =	sld [smem:$0x3FD9]  }
0x89: {  	s3 =	sld [smem:$0x3FFE];
	_ =	sdelay $0x1  }
0x8a: {  	s1 =	srdreg.scid  }
0x8b: {  	s0 =	sand.u32 $0x1, s1  }
0x8c: {  	s17 =	sshll.u32 s0, $0xA;
	s2 =	sadd.s32 s3, s2  }
0x8d: {  	s2 =	sadd.s32 s2, s17  }
0x8e: {  	[smem:$0x3FC6] =	sst s2  }
0x8f: {  	_ = 	snop  }
0x90: {  	s2 =	sld [smem:$0x3FC9]  }
0x91: {  	s18 =	sld [smem:$0x3FC8];
	(tm) =	ssettm $0x1  }
0x92: {  	s4 =	sld [smem:$0x3FFB];
	_ =	sdelay $0x3  }
0x93: {  	_ =	strace s4  }
0x94: {  	s4 =	sld [smem:$0x3FFC];
	_ =	sdelay $0x3  }
0x95: {  	_ =	strace s4  }
0x96: {  	s4 =	sld [smem:$0x3FFD];
	_ =	sdelay $0x3  }
0x97: {  	_ =	strace s4  }
0x98: {  	_ =	strace $0x8FFFFFFF  }
0x99: {  	s19 =	sld [smem:$0x3FDB];
	_ =	sdelay $0x1  }
0x9a: {  	s5 =	simm.s32 $_scs_section_size  }
0x9b: {  	s6 =	simm.s32 $_size__tile_overlayer_lowered;
	s7 =	simm.s32 $_tile_overlayer_lowered  }
0x9c: {  	s22 =	simm.s32 $0x1BFF;
	s21 =	sshll.u32 s7, $0x1;
	s4 =	sadd.s32 s5, s19  }
0x9d: {  	s8 =	simm.s32 $0x0;
	s20 =	sshll.u32 s6, $0x1;
	s6 =	sadd.s32 s21, s4  }
0x9e: {  	[timem:s8], [sflag:s22] =	dma.local [hbm:s6], s20  }
0x9f: {  	_ =	swait.ge [sflag:s22], s20  }
0xa0: {  	s5 =	ssub.s32 $0x0, s20;
	[sflag:s22] =	ssyncset.done $0x0  }
0xa1: {  	[sflag:s22] =	ssyncadd.s32 s5;
	_ =	sdelay $0x1  }
0xa2: {  	s23 =	simm.s32 $0x1B8B  }
0xa3: {  	_ =	swait.ge [sflag:s23], $0x1  }
0xa4: {  	[sflag:s23] =	ssyncset.done $0x0  }
0xa5: {  	s25 =	simm.s32 $0x1B8E;
	s24 =	sld [smem:$0x3FFE];
	[sflag:s23] =	ssyncadd.s32 $0xFFFFFFFF  }
0xa6: {  	s26 =	simm.s32 $execute0_lowered;
	[smem:$0x3FD2] =	sst s25  }
0xa7: {  	s6 =	sshll.u32 s26, $0x1;
	_ =	strace $0x80000046;
	[dreg:$0x1] =	wrdreg $0xFFFFFFFF  }
0xa8: {  	s28 =	simm.s32 $_size_execute0_lowered;
	s4 =	sadd.s32 s4, s6;
	[dreg:$0x0] =	wrdreg $0x0  }
0xa9: {  	s6 =	sshll.u32 s28, $0x1;
	[dreg:$0x2] =	wrdreg s4  }
0xaa: {  	[dreg:$0x3] =	wrdreg s6  }
0xab: {  	[dreg:$0x4] =	wrdreg $0xC0  }
0xac: {  	_ =	task [dreg:s8], $0x5FFFF  }
0xad: {  	[dreg:$0x1] =	wrdreg $0xFFFFFFFF  }
0xae: {  	[dreg:$0x0] =	wrdreg $0x60  }
0xaf: {  	[dreg:$0x2] =	wrdreg s2  }
0xb0: {  	[dreg:$0x3] =	wrdreg s18  }
0xb1: {  	[dreg:$0x4] =	wrdreg s24  }
0xb2: {  	[dreg:$0x5] =	wrdreg $0x9  }
0xb3: {  	_ =	task.clear_ibuf [dreg:s8], $0x6FFFF;
	_ =	strace $0x90000046  }
0xb4: {  	s29 =	simm.s32 $0x9;
	_ =	strace $0x80000048  }
0xb5: {  	_ =	swait.ge [sflag:s29], $0x1  }
0xb6: {  	[sflag:s29] =	ssyncadd.s32 $0xFFFFFFFF  }
0xb7: {  	_ =	strace $0x90000048  }
0xb8: {  	_ =	sfence  }
0xb9: {  	s30 =	sld [smem:$0x0];
	_ =	sdelay $0x2  }
0xba: {  	s31 =	sshll.u32 s1, $0xD;
	s1 =	sshrl.u32 s1, $0x2  }
0xbb: {  	s3 =	sand.u32 $0x4000, s31;
	s1 =	sadd.s32 s1, s30  }
0xbc: {  	s0 =	sor.u32 s3, s0;
	s1 =	sshll.u32 s1, $0x11  }
0xbd: {  	s0 =	sor.u32 s1, s0  }
0xbe: {  	s0 =	sadd.s32 $0x8F2B, s0  }
0xbf: {  	[sflag:s0] =	ssyncadd.remote.s32 $0x1  }
0xc0: {  	_ =	sfence.sel $0xFFFF  }
0xc1: {  	[dreg:$0x0] =	wrdreg $0xFFFFFFFF;
	(pc) =	sbr.abs _section_cstart, $3  }
0xc2: {  	[dreg:$0x1] =	wrdreg $0xFFFFFFFF  }
0xc3: {  	_ =	task.clear_ibuf [dreg:s8], $0x2FFFF;
	_ =	strace $0x9FFFFFFF  }
0xc4: {  	(tm) =	ssettm $0x7FFFFFFF  }
0xc5: {  	_ =	shalt  }
tec
execute0_lowered:
.L_overlay_start_1:
0x0: {  	(tag) =	ssettag $0x1  }
0x1: {  	s4 =	rddreg [dreg:$0x0]  }
0x2: {  	s1 =	rddreg [dreg:$0x1]  }
0x3: {  	s5 =	rddreg [dreg:$0x2]  }
0x4: {  	s0 =	rddreg [dreg:$0x3];
	s6 =	srdreg.scid  }
0x5: {  	s3 =	simm.s32 $0x0;
	s2 =	stileid.u32;
	s11 =	simm.s32 $0x5  }
0x6: {  	s12 =	simm.s32 $0x80;
	s13 =	simm.s32 $0x8080;
	s14 =	simm.s32 $0x1  }
0x7: {  	s15 =	simm.s32 $0x10080;
	s16 =	simm.s32 $0x2;
	s17 =	simm.s32 $0x4  }
0x8: {  	s18 =	simm.s32 $0x10880;
	s19 =	simm.s32 $0x3;
	s20 =	simm.s32 $0x0  }
0x9: {  	s6 =	sand.u32 $0x1, s6;
	[smem:$0x7FF] =	sst s3;
	s7 =	sshll.u32 s2, $0x8  }
0xa: {  	s8 =	sshll.u32 s6, $0x7;
	_ =	strace $0x80000047;
	s6 =	ssub.s32 $0x2, s6  }
.Ltmp0:
0xb: {  	s7 =	sor.u32 s8, s7;
	s30 =	sshrl.u32 s6, $0x1;
	(pc) =	sbr.rel .LBB2_1-.Ltmp0, $4  }
0xc: {  	s8 =	sshll.u32 s7, $0x4;
	s7 =	sshll.u32 s7, $0x8;
	s9 =	ssub.s32 s6, s30  }
0xd: {  	s10 =	sadd.s32 s8, s5;
	s31 =	sadd.s32 s7, s4;
	s9 =	smax.u32 s9, $0x1  }
0xe: {  	s4 =	sadd.s32 $0x300000, s31;
	s5 =	sadd.s32 $0x301000, s31;
	s6 =	sadd.s32 $0x600, s10  }
0xf: {  	s7 =	sadd.s32 $0x302000, s31;
	s8 =	sadd.s32 $0x303000, s31;
	s10 =	sadd.s32 $0x700, s10  }
.LBB2_12:
0x10: {  	s20 =	sadd.s32 $0x1, s20  }
0x11: {  	_ =	swait.ge [sflag:s19], $0x800;
	p0 =	sne.s32 s20, s9  }
.Ltmp1:
0x12: {  	[sflag:s19] =	ssyncset.done $0x0;
	(pc) =	sbr.rel @!p0 .LBB2_13-.Ltmp1, $4  }
0x13: {  	[sflag:s19] =	ssyncadd.s32 $0xFFFFF800  }
0x14: {  	_ =	swait.ge [sflag:s17], $0x800  }
0x15: {  	[sflag:s17] =	ssyncset.done $0x0  }
0x16: {  	[sflag:s17] =	ssyncadd.s32 $0xFFFFF800  }
.LBB2_1:
0x17: {  	[tilespmem:s3], [sflag:$0x5] =	stream.linear.gather [hbm4b:s1+s3], $0x80, $0x38;
	[tilespmem:$0x11080] =	vst v63  }
0x18: {  	_ =	swait.ge [sflag:s11], $0x80  }
0x19: {  	[sflag:s11] =	ssyncset.done $0x0  }
0x1a: {  	[sflag:s11] =	ssyncadd.s32 $0xFFFFFF80  }
0x1b: {  	[tilespmem:s12], [sflag:$0x1] =	stream.linear.gather [hbm4b:s4+s3], $0x8000, $0x38;
	[tilespmem:$0x11080] =	vst v63  }
0x1c: {  	s21 =	simm.s32 $0x0  }
0x1d: {  	[tilespmem:s13], [sflag:$0x2] =	stream.linear.gather [hbm4b:s5+s3], $0x8000, $0x38;
	[tilespmem:$0x11080] =	vst v63  }
.LBB2_2:
0x1e: {  	_ =	swait.ge [sflag:s14], $0x8000  }
0x1f: {  	p0 =	seq.s32 s21, $0x0;
	[sflag:s14] =	ssyncset.done $0x0  }
0x20: {  	s23 =	simm.s32 @!p0 $0x3;
	[sflag:s14] =	ssyncadd.s32 $0xFFFF8000  }
0x21: {  	_ =	swait.ge @!p0 [sflag:s23], $0x800  }
0x22: {  	s22 =	sshll.u32 s21, $0xD;
	[sflag:s23] =	ssyncset.done @!p0 $0x0  }
0x23: {  	s24 =	simm.s32 $0x10100;
	[sflag:s23] =	ssyncadd.s32 @!p0 $0xFFFFF800;
	s23 =	simm.s32 $0x0  }
.LBB2_3:
0x24: {  	v0 =	vld [tilespmem:$0x0];
	_ =	sdelay $0x3  }
0x25: {  	v1 =	vmov s23  }
0x26: {  	v2 =	vshll.u32 v1, $0xB;
	v3 =	vshll.u32 v0, $0x3  }
0x27: {  	v2 =	vand.u32 $0x4000, v2;
	v3 =	vand.u32 $0xFFFFFC00, v3  }
0x28: {  	v1 =	vshll.u32 v1, $0x7;
	v0 =	vand.u32 $0x7F, v0;
	v3 =	vadd.s32 v2, v3  }
0x29: {  	v1 =	vand.u32 $0x300, v1;
	v0 =	vor.u32 v0, v3  }
0x2a: {  	v0 =	vor.u32 v1, v0;
	_ =	sdelay $0x4  }
0x2b: {  	v0 =	vld.idx.msk [tilespmem:v0+s12+$0x0], $0xffff;
	_ =	sdelay $0x4  }
0x2c: {  	[tilespmem:s24+$0xFFFFFF80] =	vst v0  }
0x2d: {  	v0 =	vld [tilespmem:$0x10];
	_ =	sdelay $0x4  }
0x2e: {  	v47 =	vshll.u32 v0, $0x3  }
0x2f: {  	v3 =	vand.u32 $0xFFFFFC00, v47  }
0x30: {  	v0 =	vand.u32 $0x7F, v0;
	v3 =	vadd.s32 v2, v3  }
0x31: {  	v0 =	vor.u32 v0, v3  }
0x32: {  	v0 =	vor.u32 v1, v0;
	_ =	sdelay $0x4  }
0x33: {  	v0 =	vld.idx.msk [tilespmem:v0+s12+$0x0], $0xffff;
	_ =	sdelay $0x4  }
0x34: {  	[tilespmem:s24+$0xFFFFFF90] =	vst v0  }
0x35: {  	v0 =	vld [tilespmem:$0x20];
	_ =	sdelay $0x4  }
0x36: {  	v48 =	vshll.u32 v0, $0x3  }
0x37: {  	v3 =	vand.u32 $0xFFFFFC00, v48  }
0x38: {  	v0 =	vand.u32 $0x7F, v0;
	v3 =	vadd.s32 v2, v3  }
0x39: {  	v0 =	vor.u32 v0, v3  }
0x3a: {  	v0 =	vor.u32 v1, v0;
	_ =	sdelay $0x4  }
0x3b: {  	v0 =	vld.idx.msk [tilespmem:v0+s12+$0x0], $0xffff;
	_ =	sdelay $0x4  }
0x3c: {  	[tilespmem:s24+$0xFFFFFFA0] =	vst v0  }
0x3d: {  	v0 =	vld [tilespmem:$0x30];
	_ =	sdelay $0x4  }
0x3e: {  	v49 =	vshll.u32 v0, $0x3  }
0x3f: {  	v3 =	vand.u32 $0xFFFFFC00, v49  }
0x40: {  	v0 =	vand.u32 $0x7F, v0;
	v3 =	vadd.s32 v2, v3  }
0x41: {  	v0 =	vor.u32 v0, v3  }
0x42: {  	v0 =	vor.u32 v1, v0;
	_ =	sdelay $0x4  }
0x43: {  	v0 =	vld.idx.msk [tilespmem:v0+s12+$0x0], $0xffff;
	_ =	sdelay $0x4  }
0x44: {  	[tilespmem:s24+$0xFFFFFFB0] =	vst v0  }
0x45: {  	v0 =	vld [tilespmem:$0x40];
	_ =	sdelay $0x4  }
0x46: {  	v50 =	vshll.u32 v0, $0x3  }
0x47: {  	v3 =	vand.u32 $0xFFFFFC00, v50  }
0x48: {  	v0 =	vand.u32 $0x7F, v0;
	v3 =	vadd.s32 v2, v3  }
0x49: {  	v0 =	vor.u32 v0, v3  }
0x4a: {  	v0 =	vor.u32 v1, v0;
	_ =	sdelay $0x4  }
0x4b: {  	v0 =	vld.idx.msk [tilespmem:v0+s12+$0x0], $0xffff;
	_ =	sdelay $0x4  }
0x4c: {  	[tilespmem:s24+$0xFFFFFFC0] =	vst v0  }
0x4d: {  	v0 =	vld [tilespmem:$0x50];
	_ =	sdelay $0x4  }
0x4e: {  	v51 =	vshll.u32 v0, $0x3  }
0x4f: {  	v3 =	vand.u32 $0xFFFFFC00, v51  }
0x50: {  	v0 =	vand.u32 $0x7F, v0;
	v3 =	vadd.s32 v2, v3  }
0x51: {  	v0 =	vor.u32 v0, v3  }
0x52: {  	v0 =	vor.u32 v1, v0;
	_ =	sdelay $0x4  }
0x53: {  	v0 =	vld.idx.msk [tilespmem:v0+s12+$0x0], $0xffff;
	_ =	sdelay $0x4  }
0x54: {  	[tilespmem:s24+$0xFFFFFFD0] =	vst v0  }
0x55: {  	v0 =	vld [tilespmem:$0x60];
	_ =	sdelay $0x4  }
0x56: {  	v52 =	vshll.u32 v0, $0x3  }
0x57: {  	v3 =	vand.u32 $0xFFFFFC00, v52  }
0x58: {  	v0 =	vand.u32 $0x7F, v0;
	v3 =	vadd.s32 v2, v3  }
0x59: {  	v0 =	vor.u32 v0, v3  }
0x5a: {  	v0 =	vor.u32 v1, v0;
	_ =	sdelay $0x4  }
0x5b: {  	v0 =	vld.idx.msk [tilespmem:v0+s12+$0x0], $0xffff;
	_ =	sdelay $0x4  }
0x5c: {  	[tilespmem:s24+$0xFFFFFFE0] =	vst v0  }
0x5d: {  	v0 =	vld [tilespmem:$0x70];
	_ =	sdelay $0x4  }
0x5e: {  	v53 =	vshll.u32 v0, $0x3  }
0x5f: {  	v3 =	vand.u32 $0xFFFFFC00, v53  }
0x60: {  	v0 =	vand.u32 $0x7F, v0;
	v2 =	vadd.s32 v2, v3  }
0x61: {  	v0 =	vor.u32 v0, v2  }
0x62: {  	v0 =	vor.u32 v1, v0;
	_ =	sdelay $0x4  }
0x63: {  	v0 =	vld.idx.msk [tilespmem:v0+s12+$0x0], $0xffff;
	_ =	sdelay $0x4  }
0x64: {  	[tilespmem:s24+$0xFFFFFFF0] =	vst v0  }
0x65: {  	v0 =	vld [tilespmem:$0x0];
	_ =	sdelay $0x2  }
0x66: {  	s25 =	sadd.s32 $0x1, s23  }
0x67: {  	v54 =	vmov s25  }
0x68: {  	v55 =	vshll.u32 v54, $0xB;
	v56 =	vshll.u32 v0, $0x3  }
0x69: {  	v2 =	vand.u32 $0x4000, v55;
	v3 =	vand.u32 $0xFFFFFC00, v56  }
0x6a: {  	v1 =	vshll.u32 v54, $0x7;
	v0 =	vand.u32 $0x7F, v0;
	v3 =	vadd.s32 v2, v3  }
0x6b: {  	v1 =	vand.u32 $0x380, v1;
	v0 =	vor.u32 v0, v3  }
0x6c: {  	v0 =	vor.u32 v1, v0;
	_ =	sdelay $0x4  }
0x6d: {  	v0 =	vld.idx.msk [tilespmem:v0+s12+$0x0], $0xffff;
	_ =	sdelay $0x4  }
0x6e: {  	[tilespmem:s24+$0x0] =	vst v0  }
0x6f: {  	v0 =	vld [tilespmem:$0x10];
	_ =	sdelay $0x4  }
0x70: {  	v57 =	vshll.u32 v0, $0x3  }
0x71: {  	v3 =	vand.u32 $0xFFFFFC00, v57  }
0x72: {  	v0 =	vand.u32 $0x7F, v0;
	v3 =	vadd.s32 v2, v3  }
0x73: {  	v0 =	vor.u32 v0, v3  }
0x74: {  	v0 =	vor.u32 v1, v0;
	_ =	sdelay $0x4  }
0x75: {  	v0 =	vld.idx.msk [tilespmem:v0+s12+$0x0], $0xffff;
	_ =	sdelay $0x4  }
0x76: {  	[tilespmem:s24+$0x10] =	vst v0  }
0x77: {  	v0 =	vld [tilespmem:$0x20];
	_ =	sdelay $0x4  }
0x78: {  	v58 =	vshll.u32 v0, $0x3  }
0x79: {  	v3 =	vand.u32 $0xFFFFFC00, v58  }
0x7a: {  	v0 =	vand.u32 $0x7F, v0;
	v3 =	vadd.s32 v2, v3  }
0x7b: {  	v0 =	vor.u32 v0, v3  }
0x7c: {  	v0 =	vor.u32 v1, v0;
	_ =	sdelay $0x4  }
0x7d: {  	v0 =	vld.idx.msk [tilespmem:v0+s12+$0x0], $0xffff;
	_ =	sdelay $0x4  }
0x7e: {  	[tilespmem:s24+$0x20] =	vst v0  }
0x7f: {  	v0 =	vld [tilespmem:$0x30];
	_ =	sdelay $0x4  }
0x80: {  	v59 =	vshll.u32 v0, $0x3  }
0x81: {  	v3 =	vand.u32 $0xFFFFFC00, v59  }
0x82: {  	v0 =	vand.u32 $0x7F, v0;
	v3 =	vadd.s32 v2, v3  }
0x83: {  	v0 =	vor.u32 v0, v3  }
0x84: {  	v0 =	vor.u32 v1, v0;
	_ =	sdelay $0x4  }
0x85: {  	v0 =	vld.idx.msk [tilespmem:v0+s12+$0x0], $0xffff;
	_ =	sdelay $0x4  }
0x86: {  	[tilespmem:s24+$0x30] =	vst v0  }
0x87: {  	v0 =	vld [tilespmem:$0x40];
	_ =	sdelay $0x4  }
0x88: {  	v60 =	vshll.u32 v0, $0x3  }
0x89: {  	v3 =	vand.u32 $0xFFFFFC00, v60  }
0x8a: {  	v0 =	vand.u32 $0x7F, v0;
	v3 =	vadd.s32 v2, v3  }
0x8b: {  	v0 =	vor.u32 v0, v3  }
0x8c: {  	v0 =	vor.u32 v1, v0;
	_ =	sdelay $0x4  }
0x8d: {  	v0 =	vld.idx.msk [tilespmem:v0+s12+$0x0], $0xffff;
	_ =	sdelay $0x4  }
0x8e: {  	[tilespmem:s24+$0x40] =	vst v0  }
0x8f: {  	v0 =	vld [tilespmem:$0x50];
	_ =	sdelay $0x4  }
0x90: {  	v61 =	vshll.u32 v0, $0x3  }
0x91: {  	v3 =	vand.u32 $0xFFFFFC00, v61  }
0x92: {  	v0 =	vand.u32 $0x7F, v0;
	v3 =	vadd.s32 v2, v3  }
0x93: {  	v0 =	vor.u32 v0, v3  }
0x94: {  	v0 =	vor.u32 v1, v0;
	_ =	sdelay $0x4  }
0x95: {  	v0 =	vld.idx.msk [tilespmem:v0+s12+$0x0], $0xffff;
	_ =	sdelay $0x4  }
0x96: {  	[tilespmem:s24+$0x50] =	vst v0  }
0x97: {  	v0 =	vld [tilespmem:$0x60];
	_ =	sdelay $0x4  }
0x98: {  	v62 =	vshll.u32 v0, $0x3  }
0x99: {  	v3 =	vand.u32 $0xFFFFFC00, v62  }
0x9a: {  	v0 =	vand.u32 $0x7F, v0;
	v3 =	vadd.s32 v2, v3  }
0x9b: {  	v0 =	vor.u32 v0, v3  }
0x9c: {  	v0 =	vor.u32 v1, v0;
	_ =	sdelay $0x4  }
0x9d: {  	v0 =	vld.idx.msk [tilespmem:v0+s12+$0x0], $0xffff;
	_ =	sdelay $0x4  }
0x9e: {  	[tilespmem:s24+$0x60] =	vst v0  }
0x9f: {  	v0 =	vld [tilespmem:$0x70];
	_ =	sdelay $0x4  }
0xa0: {  	v63 =	vshll.u32 v0, $0x3  }
0xa1: {  	v3 =	vand.u32 $0xFFFFFC00, v63  }
0xa2: {  	v0 =	vand.u32 $0x7F, v0;
	v2 =	vadd.s32 v2, v3  }
0xa3: {  	v0 =	vor.u32 v0, v2  }
0xa4: {  	v0 =	vor.u32 v1, v0;
	_ =	sdelay $0x4  }
0xa5: {  	p1 =	slt.u32 s23, $0xE;
	v0 =	vld.idx.msk [tilespmem:v0+s12+$0x0], $0xffff  }
.Ltmp2:
0xa6: {  	_ = 	snop;
	(pc) =	sbr.rel @p1 .LBB2_3-.Ltmp2, $2  }
0xa7: {  	_ =	sdelay $0x2  }
0xa8: {  	s23 =	sadd.s32 $0x2, s23;
	[tilespmem:s24+$0x70] =	vst v0;
	s24 =	sadd.s32 $0x100, s24  }
0xa9: {  	p1 =	sne.s32 s21, $0x3  }
.Ltmp3:
0xaa: {  	_ = 	snop;
	(pc) =	sbr.rel @p1 .LBB2_6-.Ltmp3, $4  }
0xab: {  	_ = 	snop  }
0xac: {  	s23 =	sshll.u32 s21, $0x9  }
0xad: {  	s24 =	sadd.s32 s23, s6  }
0xae: {  	[hbm4b:s24+s3] =	stream.linear.scatter [tilespmem:s15], [sflag:$0x3], $0x800, $0x38;
	[tilespmem:$0x11080] =	vst v63  }
.Ltmp4:
0xaf: {  	(pc) =	sbr.rel .LBB2_7-.Ltmp4, $4  }
0xb0: {  	_ = 	snop  }
0xb1: {  	_ =	swait.ge [sflag:s16], $0x8000  }
0xb2: {  	[sflag:s16] =	ssyncset.done $0x0  }
0xb3: {  	[sflag:s16] =	ssyncadd.s32 $0xFFFF8000  }
.LBB2_6:
.Ltmp5:
0xb4: {  	s24 =	sadd.s32 s22, s7;
	(pc) =	sbr.rel @p0 .LBB2_8-.Ltmp5, $4  }
0xb5: {  	[tilespmem:s12], [sflag:$0x1] =	stream.linear.gather [hbm4b:s24+s3], $0x8000, $0x38;
	[tilespmem:$0x11080] =	vst v63  }
0xb6: {  	_ =	swait.ge [sflag:s16], $0x8000  }
0xb7: {  	[sflag:s16] =	ssyncset.done $0x0  }
0xb8: {  	[sflag:s16] =	ssyncadd.s32 $0xFFFF8000  }
.LBB2_7:
0xb9: {  	_ =	swait.ge [sflag:s17], $0x800  }
0xba: {  	[sflag:s17] =	ssyncset.done $0x0  }
0xbb: {  	[sflag:s17] =	ssyncadd.s32 $0xFFFFF800  }
.LBB2_8:
0xbc: {  	s24 =	simm.s32 $0x0;
	s25 =	simm.s32 $0x10900  }
.LBB2_9:
0xbd: {  	v0 =	vld [tilespmem:$0x0];
	_ =	sdelay $0x3  }
0xbe: {  	v1 =	vmov s24  }
0xbf: {  	v2 =	vshll.u32 v1, $0xB;
	v3 =	vshll.u32 v0, $0x3  }
0xc0: {  	v2 =	vand.u32 $0x4000, v2;
	v3 =	vand.u32 $0xFFFFFC00, v3  }
0xc1: {  	v1 =	vshll.u32 v1, $0x7;
	v0 =	vand.u32 $0x7F, v0;
	v3 =	vadd.s32 v2, v3  }
0xc2: {  	v1 =	vand.u32 $0x300, v1;
	v0 =	vor.u32 v0, v3  }
0xc3: {  	v0 =	vor.u32 v1, v0;
	_ =	sdelay $0x4  }
0xc4: {  	v0 =	vld.idx.msk [tilespmem:v0+s13+$0x0], $0xffff;
	_ =	sdelay $0x4  }
0xc5: {  	[tilespmem:s25+$0xFFFFFF80] =	vst v0  }
0xc6: {  	v0 =	vld [tilespmem:$0x10];
	_ =	sdelay $0x4  }
0xc7: {  	v47 =	vshll.u32 v0, $0x3  }
0xc8: {  	v3 =	vand.u32 $0xFFFFFC00, v47  }
0xc9: {  	v0 =	vand.u32 $0x7F, v0;
	v3 =	vadd.s32 v2, v3  }
0xca: {  	v0 =	vor.u32 v0, v3  }
0xcb: {  	v0 =	vor.u32 v1, v0;
	_ =	sdelay $0x4  }
0xcc: {  	v0 =	vld.idx.msk [tilespmem:v0+s13+$0x0], $0xffff;
	_ =	sdelay $0x4  }
0xcd: {  	[tilespmem:s25+$0xFFFFFF90] =	vst v0  }
0xce: {  	v0 =	vld [tilespmem:$0x20];
	_ =	sdelay $0x4  }
0xcf: {  	v48 =	vshll.u32 v0, $0x3  }
0xd0: {  	v3 =	vand.u32 $0xFFFFFC00, v48  }
0xd1: {  	v0 =	vand.u32 $0x7F, v0;
	v3 =	vadd.s32 v2, v3  }
0xd2: {  	v0 =	vor.u32 v0, v3  }
0xd3: {  	v0 =	vor.u32 v1, v0;
	_ =	sdelay $0x4  }
0xd4: {  	v0 =	vld.idx.msk [tilespmem:v0+s13+$0x0], $0xffff;
	_ =	sdelay $0x4  }
0xd5: {  	[tilespmem:s25+$0xFFFFFFA0] =	vst v0  }
0xd6: {  	v0 =	vld [tilespmem:$0x30];
	_ =	sdelay $0x4  }
0xd7: {  	v49 =	vshll.u32 v0, $0x3  }
0xd8: {  	v3 =	vand.u32 $0xFFFFFC00, v49  }
0xd9: {  	v0 =	vand.u32 $0x7F, v0;
	v3 =	vadd.s32 v2, v3  }
0xda: {  	v0 =	vor.u32 v0, v3  }
0xdb: {  	v0 =	vor.u32 v1, v0;
	_ =	sdelay $0x4  }
0xdc: {  	v0 =	vld.idx.msk [tilespmem:v0+s13+$0x0], $0xffff;
	_ =	sdelay $0x4  }
0xdd: {  	[tilespmem:s25+$0xFFFFFFB0] =	vst v0  }
0xde: {  	v0 =	vld [tilespmem:$0x40];
	_ =	sdelay $0x4  }
0xdf: {  	v50 =	vshll.u32 v0, $0x3  }
0xe0: {  	v3 =	vand.u32 $0xFFFFFC00, v50  }
0xe1: {  	v0 =	vand.u32 $0x7F, v0;
	v3 =	vadd.s32 v2, v3  }
0xe2: {  	v0 =	vor.u32 v0, v3  }
0xe3: {  	v0 =	vor.u32 v1, v0;
	_ =	sdelay $0x4  }
0xe4: {  	v0 =	vld.idx.msk [tilespmem:v0+s13+$0x0], $0xffff;
	_ =	sdelay $0x4  }
0xe5: {  	[tilespmem:s25+$0xFFFFFFC0] =	vst v0  }
0xe6: {  	v0 =	vld [tilespmem:$0x50];
	_ =	sdelay $0x4  }
0xe7: {  	v51 =	vshll.u32 v0, $0x3  }
0xe8: {  	v3 =	vand.u32 $0xFFFFFC00, v51  }
0xe9: {  	v0 =	vand.u32 $0x7F, v0;
	v3 =	vadd.s32 v2, v3  }
0xea: {  	v0 =	vor.u32 v0, v3  }
0xeb: {  	v0 =	vor.u32 v1, v0;
	_ =	sdelay $0x4  }
0xec: {  	v0 =	vld.idx.msk [tilespmem:v0+s13+$0x0], $0xffff;
	_ =	sdelay $0x4  }
0xed: {  	[tilespmem:s25+$0xFFFFFFD0] =	vst v0  }
0xee: {  	v0 =	vld [tilespmem:$0x60];
	_ =	sdelay $0x4  }
0xef: {  	v52 =	vshll.u32 v0, $0x3  }
0xf0: {  	v3 =	vand.u32 $0xFFFFFC00, v52  }
0xf1: {  	v0 =	vand.u32 $0x7F, v0;
	v3 =	vadd.s32 v2, v3  }
0xf2: {  	v0 =	vor.u32 v0, v3  }
0xf3: {  	v0 =	vor.u32 v1, v0;
	_ =	sdelay $0x4  }
0xf4: {  	v0 =	vld.idx.msk [tilespmem:v0+s13+$0x0], $0xffff;
	_ =	sdelay $0x4  }
0xf5: {  	[tilespmem:s25+$0xFFFFFFE0] =	vst v0  }
0xf6: {  	v0 =	vld [tilespmem:$0x70];
	_ =	sdelay $0x4  }
0xf7: {  	v53 =	vshll.u32 v0, $0x3  }
0xf8: {  	v3 =	vand.u32 $0xFFFFFC00, v53  }
0xf9: {  	v0 =	vand.u32 $0x7F, v0;
	v2 =	vadd.s32 v2, v3  }
0xfa: {  	v0 =	vor.u32 v0, v2  }
0xfb: {  	v0 =	vor.u32 v1, v0;
	_ =	sdelay $0x4  }
0xfc: {  	v0 =	vld.idx.msk [tilespmem:v0+s13+$0x0], $0xffff;
	_ =	sdelay $0x4  }
0xfd: {  	[tilespmem:s25+$0xFFFFFFF0] =	vst v0  }
0xfe: {  	v0 =	vld [tilespmem:$0x0];
	_ =	sdelay $0x2  }
0xff: {  	s26 =	sadd.s32 $0x1, s24  }
0x100: {  	v54 =	vmov s26  }
0x101: {  	v55 =	vshll.u32 v54, $0xB;
	v56 =	vshll.u32 v0, $0x3  }
0x102: {  	v2 =	vand.u32 $0x4000, v55;
	v3 =	vand.u32 $0xFFFFFC00, v56  }
0x103: {  	v1 =	vshll.u32 v54, $0x7;
	v0 =	vand.u32 $0x7F, v0;
	v3 =	vadd.s32 v2, v3  }
0x104: {  	v1 =	vand.u32 $0x380, v1;
	v0 =	vor.u32 v0, v3  }
0x105: {  	v0 =	vor.u32 v1, v0;
	_ =	sdelay $0x4  }
0x106: {  	v0 =	vld.idx.msk [tilespmem:v0+s13+$0x0], $0xffff;
	_ =	sdelay $0x4  }
0x107: {  	[tilespmem:s25+$0x0] =	vst v0  }
0x108: {  	v0 =	vld [tilespmem:$0x10];
	_ =	sdelay $0x4  }
0x109: {  	v57 =	vshll.u32 v0, $0x3  }
0x10a: {  	v3 =	vand.u32 $0xFFFFFC00, v57  }
0x10b: {  	v0 =	vand.u32 $0x7F, v0;
	v3 =	vadd.s32 v2, v3  }
0x10c: {  	v0 =	vor.u32 v0, v3  }
0x10d: {  	v0 =	vor.u32 v1, v0;
	_ =	sdelay $0x4  }
0x10e: {  	v0 =	vld.idx.msk [tilespmem:v0+s13+$0x0], $0xffff;
	_ =	sdelay $0x4  }
0x10f: {  	[tilespmem:s25+$0x10] =	vst v0  }
0x110: {  	v0 =	vld [tilespmem:$0x20];
	_ =	sdelay $0x4  }
0x111: {  	v58 =	vshll.u32 v0, $0x3  }
0x112: {  	v3 =	vand.u32 $0xFFFFFC00, v58  }
0x113: {  	v0 =	vand.u32 $0x7F, v0;
	v3 =	vadd.s32 v2, v3  }
0x114: {  	v0 =	vor.u32 v0, v3  }
0x115: {  	v0 =	vor.u32 v1, v0;
	_ =	sdelay $0x4  }
0x116: {  	v0 =	vld.idx.msk [tilespmem:v0+s13+$0x0], $0xffff;
	_ =	sdelay $0x4  }
0x117: {  	[tilespmem:s25+$0x20] =	vst v0  }
0x118: {  	v0 =	vld [tilespmem:$0x30];
	_ =	sdelay $0x4  }
0x119: {  	v59 =	vshll.u32 v0, $0x3  }
0x11a: {  	v3 =	vand.u32 $0xFFFFFC00, v59  }
0x11b: {  	v0 =	vand.u32 $0x7F, v0;
	v3 =	vadd.s32 v2, v3  }
0x11c: {  	v0 =	vor.u32 v0, v3  }
0x11d: {  	v0 =	vor.u32 v1, v0;
	_ =	sdelay $0x4  }
0x11e: {  	v0 =	vld.idx.msk [tilespmem:v0+s13+$0x0], $0xffff;
	_ =	sdelay $0x4  }
0x11f: {  	[tilespmem:s25+$0x30] =	vst v0  }
0x120: {  	v0 =	vld [tilespmem:$0x40];
	_ =	sdelay $0x4  }
0x121: {  	v60 =	vshll.u32 v0, $0x3  }
0x122: {  	v3 =	vand.u32 $0xFFFFFC00, v60  }
0x123: {  	v0 =	vand.u32 $0x7F, v0;
	v3 =	vadd.s32 v2, v3  }
0x124: {  	v0 =	vor.u32 v0, v3  }
0x125: {  	v0 =	vor.u32 v1, v0;
	_ =	sdelay $0x4  }
0x126: {  	v0 =	vld.idx.msk [tilespmem:v0+s13+$0x0], $0xffff;
	_ =	sdelay $0x4  }
0x127: {  	[tilespmem:s25+$0x40] =	vst v0  }
0x128: {  	v0 =	vld [tilespmem:$0x50];
	_ =	sdelay $0x4  }
0x129: {  	v61 =	vshll.u32 v0, $0x3  }
0x12a: {  	v3 =	vand.u32 $0xFFFFFC00, v61  }
0x12b: {  	v0 =	vand.u32 $0x7F, v0;
	v3 =	vadd.s32 v2, v3  }
0x12c: {  	v0 =	vor.u32 v0, v3  }
0x12d: {  	v0 =	vor.u32 v1, v0;
	_ =	sdelay $0x4  }
0x12e: {  	v0 =	vld.idx.msk [tilespmem:v0+s13+$0x0], $0xffff;
	_ =	sdelay $0x4  }
0x12f: {  	[tilespmem:s25+$0x50] =	vst v0  }
0x130: {  	v0 =	vld [tilespmem:$0x60];
	_ =	sdelay $0x4  }
0x131: {  	v62 =	vshll.u32 v0, $0x3  }
0x132: {  	v3 =	vand.u32 $0xFFFFFC00, v62  }
0x133: {  	v0 =	vand.u32 $0x7F, v0;
	v3 =	vadd.s32 v2, v3  }
0x134: {  	v0 =	vor.u32 v0, v3  }
0x135: {  	v0 =	vor.u32 v1, v0;
	_ =	sdelay $0x4  }
0x136: {  	v0 =	vld.idx.msk [tilespmem:v0+s13+$0x0], $0xffff;
	_ =	sdelay $0x4  }
0x137: {  	[tilespmem:s25+$0x60] =	vst v0  }
0x138: {  	v0 =	vld [tilespmem:$0x70];
	_ =	sdelay $0x4  }
0x139: {  	v63 =	vshll.u32 v0, $0x3  }
0x13a: {  	v3 =	vand.u32 $0xFFFFFC00, v63  }
0x13b: {  	v0 =	vand.u32 $0x7F, v0;
	v2 =	vadd.s32 v2, v3  }
0x13c: {  	v0 =	vor.u32 v0, v2  }
0x13d: {  	v0 =	vor.u32 v1, v0;
	_ =	sdelay $0x4  }
0x13e: {  	p0 =	slt.u32 s24, $0xE;
	v0 =	vld.idx.msk [tilespmem:v0+s13+$0x0], $0xffff  }
.Ltmp6:
0x13f: {  	_ = 	snop;
	(pc) =	sbr.rel @p0 .LBB2_9-.Ltmp6, $2  }
0x140: {  	_ =	sdelay $0x2  }
0x141: {  	s24 =	sadd.s32 $0x2, s24;
	[tilespmem:s25+$0x70] =	vst v0;
	s25 =	sadd.s32 $0x100, s25  }
0x142: {  	p0 =	seq.s32 s21, $0x3  }
.Ltmp7:
0x143: {  	_ = 	snop;
	(pc) =	sbr.rel @p0 .LBB2_12-.Ltmp7, $3  }
0x144: {  	_ =	sdelay $0x1  }
0x145: {  	s23 =	sadd.s32 s10, s23  }
0x146: {  	[hbm4b:s23+s3] =	stream.linear.scatter [tilespmem:s18], [sflag:$0x4], $0x800, $0x38;
	[tilespmem:$0x11080] =	vst v63  }
.Ltmp8:
0x147: {  	(pc) =	sbr.rel .LBB2_2-.Ltmp8, $3  }
0x148: {  	_ =	sdelay $0x1  }
0x149: {  	s22 =	sadd.s32 s22, s8;
	s21 =	sadd.s32 $0x1, s21  }
0x14a: {  	[tilespmem:s13], [sflag:$0x2] =	stream.linear.gather [hbm4b:s22+s3], $0x8000, $0x38;
	[tilespmem:$0x11080] =	vst v63  }
.LBB2_13:
0x14b: {  	_ =	sfence.sel $0x180000  }
0x14c: {  	[bflag:$0x0] =	sbarrier.arrive $0xFFFF  }
0x14d: {  	p0 =	sne.s32 s2, $0x0;
	_ =	strace $0x90000047  }
0x14e: {  	s0 =	sadd.s32 @!p0 $0x100000, s0;
	[bflag:$0x2] =	sbarrier.arrive $0xFFFF  }
0x14f: {  	[sflag:s0] =	ssyncadd.tile.s32 @!p0 $0x1;
	_ =	shalt  }
.Lfunc_end2:
_tile_overlayer_lowered:
.L_overlay_start_2:
0x150: {  	(tag) =	ssettag $0x2  }
0x151: {  	s0 =	rddreg [dreg:$0x0];
	s2 =	stileid.u32  }
0x152: {  	s1 =	rddreg [dreg:$0x1];
	p0 =	sne.s32 s2, $0x0  }
0x153: {  	s3 =	rddreg [dreg:$0x2];
	[bflag:$0x3] =	sbarrier.arrive $0xFFFF;
	s2 =	simm.s32 @!p0 $0x1C05  }
0x154: {  	[timem:s3], [sflag:s2] =	dma.local @!p0 [hbm:s0], s1  }
0x155: {  	s0 =	simm.s32 @!p0 $0x5  }
0x156: {  	_ =	swait.ge @!p0 [sflag:s0], s1  }
0x157: {  	s1 =	ssub.s32 @!p0 $0x0, s1;
	[sflag:s0] =	ssyncset.done @!p0 $0x0  }
0x158: {  	[sflag:s0] =	ssyncadd.s32 @!p0 s1  }
0x159: {  	[bflag:$0x3] =	sbarrier.arrive $0xFFFF  }
0x15a: {  	_ =	shalt  }

</sc_bundles>
